<compile_context>
chip_gen: v7x
topology: tpu7x:2x2x1
jax: 0.10.2.dev20260603
libtpu: 0.0.44.dev20260713+nightly
codegen_flags: <defaults>
</compile_context>

<pallas_src>
import functools

import jax
import jax.numpy as jnp
from jax import lax
from jax.experimental import pallas as pl
from jax.experimental.pallas import tpu as pltpu
from jax.experimental.pallas import tpu_sc as plsc

KNB = 8


_PREP_ROWS = 1024


def _prep_body(x_ref, pe_ref, gamma_ref, beta_ref, wa1_ref, ba1_ref, wf_ref,
               bf_ref, xp_ref, aself_ref, fself_ref):
    x = x_ref[...]
    mean = jnp.mean(x, axis=-1, keepdims=True)
    var = jnp.mean((x - mean) ** 2, axis=-1, keepdims=True)
    xn = (x - mean) / jnp.sqrt(var + 1e-5) * gamma_ref[...] + beta_ref[...]
    xp = xn + pe_ref[...]
    xp_ref[...] = xp
    wa1_top = wa1_ref[0:128, :]
    aself_ref[...] = (
        jnp.dot(xp, wa1_top, preferred_element_type=jnp.float32) + ba1_ref[...]
    )
    wf_diff = wf_ref[0:128, :] - wf_ref[128:256, :]
    fself_ref[...] = (
        jnp.dot(xp, wf_diff, preferred_element_type=jnp.float32) + bf_ref[...]
    )


def _prep(x2d, pe2d, gamma, beta, wa1, ba1, wf, bf):
    n = x2d.shape[0]
    grid = n // _PREP_ROWS
    row_spec = pl.BlockSpec((_PREP_ROWS, 128), lambda i: (i, 0))
    full = lambda shape: pl.BlockSpec(shape, lambda i: tuple(0 for _ in shape))
    return pl.pallas_call(
        _prep_body,
        grid=(grid,),
        in_specs=[
            row_spec, row_spec,
            full((1, 128)), full((1, 128)),
            full((256, 128)), full((1, 128)),
            full((256, 128)), full((1, 128)),
        ],
        out_specs=[row_spec, row_spec, row_spec],
        out_shape=[jax.ShapeDtypeStruct((n, 128), jnp.float32)] * 3,
    )(x2d, pe2d, gamma, beta, wa1, ba1, wf, bf)



_KNN_ROWS = 256


def _knn_body(cr_ref, ct_ref, idx_ref):
    b = pl.program_id(0)
    i = pl.program_id(1)
    npts = ct_ref.shape[2]
    x_r = cr_ref[0]
    x_ct = ct_ref[0]
    inner = jnp.dot(x_r, x_ct, preferred_element_type=jnp.float32)
    xx_r = jnp.sum(x_r * x_r, axis=1, keepdims=True)
    xx_c = jnp.sum(x_ct * x_ct, axis=0, keepdims=True)
    d = (xx_r + xx_c) + (-2.0) * inner
    rows = lax.broadcasted_iota(jnp.int32, d.shape, 0) + i * _KNN_ROWS
    cols = lax.broadcasted_iota(jnp.int32, d.shape, 1)
    colsf = cols.astype(jnp.float32)
    d = jnp.where(rows == cols, jnp.float32(1e9), d)
    base = b * npts
    for t in range(KNB):
        m = jnp.min(d, axis=1, keepdims=True)
        eqm = d == m
        jf = jnp.min(jnp.where(eqm, colsf, jnp.float32(npts)),
                     axis=1, keepdims=True)
        idx_ref[0, :, t:t + 1] = jf.astype(jnp.int32) + base
        d = jnp.where(eqm, jnp.float32(3e38), d)


def _knn(coords, coords_t):
    bsz, npts, _ = coords.shape
    grid = (bsz, npts // _KNN_ROWS)
    return pl.pallas_call(
        _knn_body,
        grid=grid,
        in_specs=[
            pl.BlockSpec((1, _KNN_ROWS, 3), lambda b, i: (b, i, 0)),
            pl.BlockSpec((1, 3, npts), lambda b, i: (b, 0, 0)),
        ],
        out_specs=pl.BlockSpec((1, _KNN_ROWS, KNB), lambda b, i: (b, i, 0)),
        out_shape=jax.ShapeDtypeStruct((bsz, npts, KNB), jnp.int32),
    )(coords, coords_t)



_GCHUNK = 128


def _gather_rows(table, idx_flat):
    n_idx = idx_flat.shape[0]
    info = plsc.get_sparse_core_info()
    nw = info.num_cores * info.num_subcores
    per_w = n_idx // nw
    chunks = per_w // _GCHUNK
    mesh = plsc.VectorSubcoreMesh(core_axis_name="c", subcore_axis_name="s")

    @functools.partial(
        pl.kernel,
        mesh=mesh,
        out_type=jax.ShapeDtypeStruct((n_idx, 128), jnp.float32),
        scratch_types=[
            pltpu.VMEM((_GCHUNK,), jnp.int32),
            pltpu.VMEM((_GCHUNK, 128), jnp.float32),
            pltpu.SemaphoreType.DMA,
        ],
    )
    def gather_k(table_hbm, idx_hbm, out_hbm, idx_v, rows_v, sem):
        wid = lax.axis_index("s") * info.num_cores + lax.axis_index("c")
        base = wid * per_w

        def body(c, carry):
            off = base + c * _GCHUNK
            pltpu.sync_copy(idx_hbm.at[pl.ds(off, _GCHUNK)], idx_v)
            pltpu.async_copy(table_hbm.at[idx_v], rows_v, sem).wait()
            pltpu.sync_copy(rows_v, out_hbm.at[pl.ds(off, _GCHUNK)])
            return carry

        lax.fori_loop(0, chunks, body, 0)

    return gather_k(table, idx_flat)



_EDGE_ROWS = 512


def _leaky(v):
    return jnp.where(v >= 0, v, 0.2 * v)


def _edge_body(xg_ref, aself_ref, fself_ref, wa1_ref, wf_ref, wa2_ref, ba2_ref,
               out_ref):
    asf = aself_ref[...]
    fsf = fself_ref[...]
    wa1b = wa1_ref[128:256, :]
    wfb = wf_ref[128:256, :]
    wa2 = wa2_ref[...]
    ba2 = ba2_ref[0, 0]
    logits = []
    for k in range(KNB):
        xk = xg_ref[:, k, :]
        h = _leaky(asf + jnp.dot(xk, wa1b, preferred_element_type=jnp.float32))
        logits.append(jnp.sum(h * wa2, axis=1, keepdims=True) + ba2)
    m = logits[0]
    for k in range(1, KNB):
        m = jnp.maximum(m, logits[k])
    es = [jnp.exp(l - m) for l in logits]
    s = es[0]
    for k in range(1, KNB):
        s = s + es[k]
    acc = jnp.zeros_like(asf)
    for k in range(KNB):
        xk = xg_ref[:, k, :]
        t = _leaky(fsf + jnp.dot(xk, wfb, preferred_element_type=jnp.float32))
        acc = acc + (es[k] / s) * t
    out_ref[...] = acc


def _edge(xg3, aself, fself, wa1, wf, wa2t, ba2):
    n = aself.shape[0]
    grid = n // _EDGE_ROWS
    row_spec = pl.BlockSpec((_EDGE_ROWS, 128), lambda i: (i, 0))
    full = lambda shape: pl.BlockSpec(shape, lambda i: tuple(0 for _ in shape))
    return pl.pallas_call(
        _edge_body,
        grid=(grid,),
        in_specs=[
            pl.BlockSpec((_EDGE_ROWS, KNB, 128), lambda i: (i, 0, 0)),
            row_spec, row_spec,
            full((256, 128)), full((256, 128)), full((1, 128)), full((1, 1)),
        ],
        out_specs=row_spec,
        out_shape=jax.ShapeDtypeStruct((n, 128), jnp.float32),
    )(xg3, aself, fself, wa1, wf, wa2t, ba2)



def kernel(x, pos_embed, rel_pos_coords, gamma, beta, Wa1, ba1, Wa2, ba2, Wf,
           bf):
    bsz, npts, ch = x.shape
    n = bsz * npts
    x2d = x.reshape(n, ch)
    pe2d = pos_embed.reshape(n, ch)
    xp, a_self, f_self = _prep(
        x2d, pe2d,
        gamma.reshape(1, ch), beta.reshape(1, ch),
        Wa1, ba1.reshape(1, ch), Wf, bf.reshape(1, ch),
    )
    coords_t = jnp.swapaxes(rel_pos_coords, 1, 2)
    wa2t = Wa2.reshape(1, ch)
    ba2r = ba2.reshape(1, 1)
    xgs = []
    for b in range(bsz):
        idx_b = _knn(rel_pos_coords[b:b + 1], coords_t[b:b + 1])
        idx_flat = idx_b.reshape(-1) + b * npts
        xgs.append(_gather_rows(xp, idx_flat).reshape(npts, KNB, ch))
    aggs = []
    for b in range(bsz):
        lo = b * npts
        aggs.append(_edge(xgs[b], a_self[lo:lo + npts], f_self[lo:lo + npts],
                          Wa1, Wf, wa2t, ba2r))
    return jnp.concatenate(aggs).reshape(bsz, npts, ch)

# --- scband reference (transcript-rebuilt; emitter-appended) ---
"""Pipeline reference for scband-dynamic-graph-attention-block-24343874633920 (READ-ONLY COPY).

The authoritative reference and input builder live on the scoring server;
editing this copy changes nothing except your own understanding.
"""

import jax, jax.numpy as jnp
import numpy as np

K_NEIGHBOR = 8


def knn_feature(x, k):
    inner = -2.0 * jnp.einsum('bkc,bjc->bkj', x, x)
    xx = jnp.sum(x ** 2, axis=-1, keepdims=True)
    pairwise_distance = xx + jnp.swapaxes(xx, 1, 2) + inner
    K = x.shape[1]
    diag = jnp.eye(K, dtype=bool)[None, :, :]
    pairwise_distance = jnp.where(diag, 1e9, pairwise_distance)
    _, idx = jax.lax.top_k(-pairwise_distance, k)
    return idx


def layer_norm(x, gamma, beta, eps=1e-5):
    mean = jnp.mean(x, axis=-1, keepdims=True)
    var = jnp.mean((x - mean) ** 2, axis=-1, keepdims=True)
    return (x - mean) / jnp.sqrt(var + eps) * gamma + beta


def leaky_relu(x, slope=0.2):
    return jnp.where(x >= 0, x, slope * x)


def setup_inputs(seed: int = 0):
    key = jax.random.key(seed)
    ks = jax.random.split(key, 8)
    B, K, C = 4, 4096, 128
    x = jax.random.normal(ks[0], (B, K, C), dtype=jnp.float32)
    pos_embed = jax.random.normal(ks[1], (B, K, C), dtype=jnp.float32) * 0.1
    rel_pos_coords = jax.random.normal(ks[2], (B, K, 3), dtype=jnp.float32)
    gamma = jnp.ones((C,), dtype=jnp.float32)
    beta = jnp.zeros((C,), dtype=jnp.float32)
    Wa1 = jax.random.normal(ks[3], (2 * C, C), dtype=jnp.float32) * 0.05
    ba1 = jnp.zeros((C,), dtype=jnp.float32)
    Wa2 = jax.random.normal(ks[4], (C, 1), dtype=jnp.float32) * 0.05
    ba2 = jnp.zeros((1,), dtype=jnp.float32)
    Wf = jax.random.normal(ks[5], (2 * C, C), dtype=jnp.float32) * 0.05
    bf = jnp.zeros((C,), dtype=jnp.float32)
    return {"x": x, "pos_embed": pos_embed, "rel_pos_coords": rel_pos_coords,
            "gamma": gamma, "beta": beta, "Wa1": Wa1, "ba1": ba1,
            "Wa2": Wa2, "ba2": ba2, "Wf": Wf, "bf": bf}


def reference(x, pos_embed, rel_pos_coords, gamma, beta, Wa1, ba1, Wa2, ba2, Wf, bf):
    x_norm = layer_norm(x, gamma, beta)
    x_with_pos = x_norm + pos_embed
    B, K, C = x_with_pos.shape
    k_eff = min(K_NEIGHBOR, K - 1)
    neighbor_idx = knn_feature(rel_pos_coords, k_eff)
    idx_base = jnp.arange(B, dtype=neighbor_idx.dtype).reshape(-1, 1, 1) * K
    idx_flat = (neighbor_idx + idx_base).reshape(-1)
    x_flat = x_with_pos.reshape(B * K, C)
    neighbor_feat = jnp.take(x_flat, idx_flat, axis=0).reshape(B, K, k_eff, C)
    self_feat = jnp.broadcast_to(x_with_pos[:, :, None, :], (B, K, k_eff, C))
    attn_input = jnp.concatenate([self_feat, neighbor_feat], axis=-1)
    h = leaky_relu(attn_input @ Wa1 + ba1)
    attn_logits = h @ Wa2 + ba2
    attn_weights = jax.nn.softmax(attn_logits, axis=2)
    feature_input = jnp.concatenate([self_feat, neighbor_feat - self_feat], axis=-1)
    transformed = leaky_relu(feature_input @ Wf + bf)
    agg_feat = jnp.sum(attn_weights * transformed, axis=2)
    return agg_feat

if __name__ == "__main__":
    import jax
    _d = setup_inputs()
    print(jax.jit(kernel)(*tuple(_d.values())))

</pallas_src>

<mosaic_0001>
#map = affine_map<(d0, d1) -> (0, 0)>
#map1 = affine_map<(d0, d1) -> (0)>
module attributes {stable_mosaic.version = 14 : i64} {
  func.func @gather_k(%arg0: i32, %arg1: i32, %arg2: memref<16384x128xf32, #tpu.memory_space<hbm>>, %arg3: memref<32768xi32, #tpu.memory_space<hbm>>, %arg4: memref<32768x128xf32, #tpu.memory_space<hbm>>, %arg5: memref<128xi32, #tpu.memory_space<vmem>>, %arg6: memref<128x128xf32, #tpu.memory_space<vmem>>, %arg7: memref<!tpu.dma_semaphore, #tpu.memory_space<semaphore_mem>>) attributes {dimension_semantics = [#tpu.dimension_semantics<core_parallel>, #tpu.dimension_semantics<subcore_parallel>], iteration_bounds = array<i64: 2, 16>, scalar_prefetch = 0 : i64, scratch_operands = 3 : i64, tpu.core_type = #tpu.core_type<sc_vector_subcore>, window_params = [{transform_indices = #map}, {transform_indices = #map1}, {transform_indices = #map}]} {
    %mul3A = arith.constant 2 : i32
    %mul3A_0 = arith.muli %arg1, %mul3A : i32
    %add3A = arith.addi %mul3A_0, %arg0 : i32
    %mul3A_1 = arith.constant 1024 : i32
    %mul3A_2 = arith.muli %add3A, %mul3A_1 : i32
    %scan3A = arith.constant 0 : i32
    %scan3A_3 = arith.constant 0 : i32
    %scan3A_4 = arith.constant 8 : i32
    %scan3A_5 = arith.addi %scan3A_3, %scan3A_4 : i32
    %scan3A_6 = arith.constant 1 : i32
    scf.for %scan3A_8 = %scan3A_3 to %scan3A_5 step %scan3A_6  : i32 {
      %mul3A_9 = arith.constant 128 : i32
      %mul3A_10 = arith.muli %scan3A_8, %mul3A_9 : i32
      %add3A_11 = arith.addi %mul3A_2, %mul3A_10 : i32
      "tpu.region"() ({
        %run_scoped3A = tpu.sem_alloc : memref<!tpu.dma_semaphore, #tpu.memory_space<semaphore_mem>>
        %dma_start3A_16 = tpu.memref_slice %arg3[%add3A_11] : memref<32768xi32, #tpu.memory_space<hbm>> -> memref<128xi32, #tpu.memory_space<hbm>>
        %dma_start3A_17 = tpu.memref_slice %arg3[%add3A_11] : memref<32768xi32, #tpu.memory_space<hbm>> -> memref<128xi32, #tpu.memory_space<hbm>>
        tpu.enqueue_dma source(%dma_start3A_17 : memref<128xi32, #tpu.memory_space<hbm>>) target(%arg5 : memref<128xi32, #tpu.memory_space<vmem>>) target_semaphore(%run_scoped3A : memref<!tpu.dma_semaphore, #tpu.memory_space<semaphore_mem>>)
        %dma_wait3A_18 = tpu.memref_slice %arg3[%add3A_11] : memref<32768xi32, #tpu.memory_space<hbm>> -> memref<128xi32, #tpu.memory_space<hbm>>
        %dma_wait3A_19 = tpu.memref_slice %arg3[%add3A_11] : memref<32768xi32, #tpu.memory_space<hbm>> -> memref<128xi32, #tpu.memory_space<hbm>>
        tpu.wait_dma2 semaphore(%run_scoped3A : memref<!tpu.dma_semaphore, #tpu.memory_space<semaphore_mem>>) src(%dma_wait3A_19 : memref<128xi32, #tpu.memory_space<hbm>>) dst(%arg5 : memref<128xi32, #tpu.memory_space<vmem>>)
        tpu.yield
      }) : () -> ()
      %dma_start3A = arith.constant 0 : i32
      %dma_start3A_12 = arith.constant 0 : i32
      %dma_start3A_13 = tpu.memref_slice %arg2[%dma_start3A, %dma_start3A_12] : memref<16384x128xf32, #tpu.memory_space<hbm>> -> memref<16384x128xf32, #tpu.memory_space<hbm>>
      tpu.enqueue_indirect_dma source(%dma_start3A_13 : memref<16384x128xf32, #tpu.memory_space<hbm>>) target(%arg6 : memref<128x128xf32, #tpu.memory_space<vmem>>) offsets(%arg5 : memref<128xi32, #tpu.memory_space<vmem>>) semaphore(%arg7 : memref<!tpu.dma_semaphore, #tpu.memory_space<semaphore_mem>>)
      %dma_wait3A = arith.constant 0 : i32
      %dma_wait3A_14 = arith.constant 0 : i32
      %dma_wait3A_15 = tpu.memref_slice %arg2[%dma_wait3A, %dma_wait3A_14] : memref<16384x128xf32, #tpu.memory_space<hbm>> -> memref<16384x128xf32, #tpu.memory_space<hbm>>
      tpu.wait_indirect_dma semaphore(%arg7 : memref<!tpu.dma_semaphore, #tpu.memory_space<semaphore_mem>>) src(%dma_wait3A_15 : memref<16384x128xf32, #tpu.memory_space<hbm>>) dst(%arg6 : memref<128x128xf32, #tpu.memory_space<vmem>>)
      "tpu.region"() ({
        %run_scoped3A = tpu.sem_alloc : memref<!tpu.dma_semaphore, #tpu.memory_space<semaphore_mem>>
        %dma_start3A_16 = arith.constant 0 : i32
        %dma_start3A_17 = tpu.memref_slice %arg4[%add3A_11, %dma_start3A_16] : memref<32768x128xf32, #tpu.memory_space<hbm>> -> memref<128x128xf32, #tpu.memory_space<hbm>>
        %dma_start3A_18 = arith.constant 0 : i32
        %dma_start3A_19 = tpu.memref_slice %arg4[%add3A_11, %dma_start3A_18] : memref<32768x128xf32, #tpu.memory_space<hbm>> -> memref<128x128xf32, #tpu.memory_space<hbm>>
        tpu.enqueue_dma source(%arg6 : memref<128x128xf32, #tpu.memory_space<vmem>>) target(%dma_start3A_19 : memref<128x128xf32, #tpu.memory_space<hbm>>) target_semaphore(%run_scoped3A : memref<!tpu.dma_semaphore, #tpu.memory_space<semaphore_mem>>)
        %dma_wait3A_20 = arith.constant 0 : i32
        %dma_wait3A_21 = tpu.memref_slice %arg4[%add3A_11, %dma_wait3A_20] : memref<32768x128xf32, #tpu.memory_space<hbm>> -> memref<128x128xf32, #tpu.memory_space<hbm>>
        %dma_wait3A_22 = arith.constant 0 : i32
        %dma_wait3A_23 = tpu.memref_slice %arg4[%add3A_11, %dma_wait3A_22] : memref<32768x128xf32, #tpu.memory_space<hbm>> -> memref<128x128xf32, #tpu.memory_space<hbm>>
        tpu.wait_dma2 semaphore(%run_scoped3A : memref<!tpu.dma_semaphore, #tpu.memory_space<semaphore_mem>>) src(%arg6 : memref<128x128xf32, #tpu.memory_space<vmem>>) dst(%dma_wait3A_23 : memref<128x128xf32, #tpu.memory_space<hbm>>)
        tpu.yield
      }) : () -> ()
    }
    %scan3A_7 = arith.constant 8 : i32
    return
  }
}

#map = affine_map<(d0, d1) -> (0, 0)>
#map1 = affine_map<(d0, d1) -> (0)>
module attributes {stable_mosaic.version = 14 : i64} {
  func.func @gather_k(%arg0: i32, %arg1: i32, %arg2: memref<16384x128xf32, #tpu.memory_space<hbm>>, %arg3: memref<32768xi32, #tpu.memory_space<hbm>>, %arg4: memref<32768x128xf32, #tpu.memory_space<hbm>>, %arg5: memref<128xi32, #tpu.memory_space<vmem>>, %arg6: memref<128x128xf32, #tpu.memory_space<vmem>>, %arg7: memref<!tpu.dma_semaphore, #tpu.memory_space<semaphore_mem>>) attributes {dimension_semantics = [#tpu.dimension_semantics<core_parallel>, #tpu.dimension_semantics<subcore_parallel>], iteration_bounds = array<i64: 2, 16>, scalar_prefetch = 0 : i64, scratch_operands = 3 : i64, tpu.core_type = #tpu.core_type<sc_vector_subcore>, window_params = [{transform_indices = #map}, {transform_indices = #map1}, {transform_indices = #map}]} {
    %mul3A = arith.constant 2 : i32
    %mul3A_0 = arith.muli %arg1, %mul3A : i32
    %add3A = arith.addi %mul3A_0, %arg0 : i32
    %mul3A_1 = arith.constant 1024 : i32
    %mul3A_2 = arith.muli %add3A, %mul3A_1 : i32
    %scan3A = arith.constant 0 : i32
    %scan3A_3 = arith.constant 0 : i32
    %scan3A_4 = arith.constant 8 : i32
    %scan3A_5 = arith.addi %scan3A_3, %scan3A_4 : i32
    %scan3A_6 = arith.constant 1 : i32
    scf.for %scan3A_8 = %scan3A_3 to %scan3A_5 step %scan3A_6  : i32 {
      %mul3A_9 = arith.constant 128 : i32
      %mul3A_10 = arith.muli %scan3A_8, %mul3A_9 : i32
      %add3A_11 = arith.addi %mul3A_2, %mul3A_10 : i32
      "tpu.region"() ({
        %run_scoped3A = tpu.sem_alloc : memref<!tpu.dma_semaphore, #tpu.memory_space<semaphore_mem>>
        %dma_start3A_16 = tpu.memref_slice %arg3[%add3A_11] : memref<32768xi32, #tpu.memory_space<hbm>> -> memref<128xi32, #tpu.memory_space<hbm>>
        %dma_start3A_17 = tpu.memref_slice %arg3[%add3A_11] : memref<32768xi32, #tpu.memory_space<hbm>> -> memref<128xi32, #tpu.memory_space<hbm>>
        tpu.enqueue_dma source(%dma_start3A_17 : memref<128xi32, #tpu.memory_space<hbm>>) target(%arg5 : memref<128xi32, #tpu.memory_space<vmem>>) target_semaphore(%run_scoped3A : memref<!tpu.dma_semaphore, #tpu.memory_space<semaphore_mem>>)
        %dma_wait3A_18 = tpu.memref_slice %arg3[%add3A_11] : memref<32768xi32, #tpu.memory_space<hbm>> -> memref<128xi32, #tpu.memory_space<hbm>>
        %dma_wait3A_19 = tpu.memref_slice %arg3[%add3A_11] : memref<32768xi32, #tpu.memory_space<hbm>> -> memref<128xi32, #tpu.memory_space<hbm>>
        tpu.wait_dma2 semaphore(%run_scoped3A : memref<!tpu.dma_semaphore, #tpu.memory_space<semaphore_mem>>) src(%dma_wait3A_19 : memref<128xi32, #tpu.memory_space<hbm>>) dst(%arg5 : memref<128xi32, #tpu.memory_space<vmem>>)
        tpu.yield
      }) : () -> ()
      %dma_start3A = arith.constant 0 : i32
      %dma_start3A_12 = arith.constant 0 : i32
      %dma_start3A_13 = tpu.memref_slice %arg2[%dma_start3A, %dma_start3A_12] : memref<16384x128xf32, #tpu.memory_space<hbm>> -> memref<16384x128xf32, #tpu.memory_space<hbm>>
      tpu.enqueue_indirect_dma source(%dma_start3A_13 : memref<16384x128xf32, #tpu.memory_space<hbm>>) target(%arg6 : memref<128x128xf32, #tpu.memory_space<vmem>>) offsets(%arg5 : memref<128xi32, #tpu.memory_space<vmem>>) semaphore(%arg7 : memref<!tpu.dma_semaphore, #tpu.memory_space<semaphore_mem>>)
      %dma_wait3A = arith.constant 0 : i32
      %dma_wait3A_14 = arith.constant 0 : i32
      %dma_wait3A_15 = tpu.memref_slice %arg2[%dma_wait3A, %dma_wait3A_14] : memref<16384x128xf32, #tpu.memory_space<hbm>> -> memref<16384x128xf32, #tpu.memory_space<hbm>>
      tpu.wait_indirect_dma semaphore(%arg7 : memref<!tpu.dma_semaphore, #tpu.memory_space<semaphore_mem>>) src(%dma_wait3A_15 : memref<16384x128xf32, #tpu.memory_space<hbm>>) dst(%arg6 : memref<128x128xf32, #tpu.memory_space<vmem>>)
      "tpu.region"() ({
        %run_scoped3A = tpu.sem_alloc : memref<!tpu.dma_semaphore, #tpu.memory_space<semaphore_mem>>
        %dma_start3A_16 = arith.constant 0 : i32
        %dma_start3A_17 = tpu.memref_slice %arg4[%add3A_11, %dma_start3A_16] : memref<32768x128xf32, #tpu.memory_space<hbm>> -> memref<128x128xf32, #tpu.memory_space<hbm>>
        %dma_start3A_18 = arith.constant 0 : i32
        %dma_start3A_19 = tpu.memref_slice %arg4[%add3A_11, %dma_start3A_18] : memref<32768x128xf32, #tpu.memory_space<hbm>> -> memref<128x128xf32, #tpu.memory_space<hbm>>
        tpu.enqueue_dma source(%arg6 : memref<128x128xf32, #tpu.memory_space<vmem>>) target(%dma_start3A_19 : memref<128x128xf32, #tpu.memory_space<hbm>>) target_semaphore(%run_scoped3A : memref<!tpu.dma_semaphore, #tpu.memory_space<semaphore_mem>>)
        %dma_wait3A_20 = arith.constant 0 : i32
        %dma_wait3A_21 = tpu.memref_slice %arg4[%add3A_11, %dma_wait3A_20] : memref<32768x128xf32, #tpu.memory_space<hbm>> -> memref<128x128xf32, #tpu.memory_space<hbm>>
        %dma_wait3A_22 = arith.constant 0 : i32
        %dma_wait3A_23 = tpu.memref_slice %arg4[%add3A_11, %dma_wait3A_22] : memref<32768x128xf32, #tpu.memory_space<hbm>> -> memref<128x128xf32, #tpu.memory_space<hbm>>
        tpu.wait_dma2 semaphore(%run_scoped3A : memref<!tpu.dma_semaphore, #tpu.memory_space<semaphore_mem>>) src(%arg6 : memref<128x128xf32, #tpu.memory_space<vmem>>) dst(%dma_wait3A_23 : memref<128x128xf32, #tpu.memory_space<hbm>>)
        tpu.yield
      }) : () -> ()
    }
    %scan3A_7 = arith.constant 8 : i32
    return
  }
}

#map = affine_map<(d0, d1) -> (0, 0)>
#map1 = affine_map<(d0, d1) -> (0)>
module attributes {stable_mosaic.version = 14 : i64} {
  func.func @gather_k(%arg0: i32, %arg1: i32, %arg2: memref<16384x128xf32, #tpu.memory_space<hbm>>, %arg3: memref<32768xi32, #tpu.memory_space<hbm>>, %arg4: memref<32768x128xf32, #tpu.memory_space<hbm>>, %arg5: memref<128xi32, #tpu.memory_space<vmem>>, %arg6: memref<128x128xf32, #tpu.memory_space<vmem>>, %arg7: memref<!tpu.dma_semaphore, #tpu.memory_space<semaphore_mem>>) attributes {dimension_semantics = [#tpu.dimension_semantics<core_parallel>, #tpu.dimension_semantics<subcore_parallel>], iteration_bounds = array<i64: 2, 16>, scalar_prefetch = 0 : i64, scratch_operands = 3 : i64, tpu.core_type = #tpu.core_type<sc_vector_subcore>, window_params = [{transform_indices = #map}, {transform_indices = #map1}, {transform_indices = #map}]} {
    %mul3A = arith.constant 2 : i32
    %mul3A_0 = arith.muli %arg1, %mul3A : i32
    %add3A = arith.addi %mul3A_0, %arg0 : i32
    %mul3A_1 = arith.constant 1024 : i32
    %mul3A_2 = arith.muli %add3A, %mul3A_1 : i32
    %scan3A = arith.constant 0 : i32
    %scan3A_3 = arith.constant 0 : i32
    %scan3A_4 = arith.constant 8 : i32
    %scan3A_5 = arith.addi %scan3A_3, %scan3A_4 : i32
    %scan3A_6 = arith.constant 1 : i32
    scf.for %scan3A_8 = %scan3A_3 to %scan3A_5 step %scan3A_6  : i32 {
      %mul3A_9 = arith.constant 128 : i32
      %mul3A_10 = arith.muli %scan3A_8, %mul3A_9 : i32
      %add3A_11 = arith.addi %mul3A_2, %mul3A_10 : i32
      "tpu.region"() ({
        %run_scoped3A = tpu.sem_alloc : memref<!tpu.dma_semaphore, #tpu.memory_space<semaphore_mem>>
        %dma_start3A_16 = tpu.memref_slice %arg3[%add3A_11] : memref<32768xi32, #tpu.memory_space<hbm>> -> memref<128xi32, #tpu.memory_space<hbm>>
        %dma_start3A_17 = tpu.memref_slice %arg3[%add3A_11] : memref<32768xi32, #tpu.memory_space<hbm>> -> memref<128xi32, #tpu.memory_space<hbm>>
        tpu.enqueue_dma source(%dma_start3A_17 : memref<128xi32, #tpu.memory_space<hbm>>) target(%arg5 : memref<128xi32, #tpu.memory_space<vmem>>) target_semaphore(%run_scoped3A : memref<!tpu.dma_semaphore, #tpu.memory_space<semaphore_mem>>)
        %dma_wait3A_18 = tpu.memref_slice %arg3[%add3A_11] : memref<32768xi32, #tpu.memory_space<hbm>> -> memref<128xi32, #tpu.memory_space<hbm>>
        %dma_wait3A_19 = tpu.memref_slice %arg3[%add3A_11] : memref<32768xi32, #tpu.memory_space<hbm>> -> memref<128xi32, #tpu.memory_space<hbm>>
        tpu.wait_dma2 semaphore(%run_scoped3A : memref<!tpu.dma_semaphore, #tpu.memory_space<semaphore_mem>>) src(%dma_wait3A_19 : memref<128xi32, #tpu.memory_space<hbm>>) dst(%arg5 : memref<128xi32, #tpu.memory_space<vmem>>)
        tpu.yield
      }) : () -> ()
      %dma_start3A = arith.constant 0 : i32
      %dma_start3A_12 = arith.constant 0 : i32
      %dma_start3A_13 = tpu.memref_slice %arg2[%dma_start3A, %dma_start3A_12] : memref<16384x128xf32, #tpu.memory_space<hbm>> -> memref<16384x128xf32, #tpu.memory_space<hbm>>
      tpu.enqueue_indirect_dma source(%dma_start3A_13 : memref<16384x128xf32, #tpu.memory_space<hbm>>) target(%arg6 : memref<128x128xf32, #tpu.memory_space<vmem>>) offsets(%arg5 : memref<128xi32, #tpu.memory_space<vmem>>) semaphore(%arg7 : memref<!tpu.dma_semaphore, #tpu.memory_space<semaphore_mem>>)
      %dma_wait3A = arith.constant 0 : i32
      %dma_wait3A_14 = arith.constant 0 : i32
      %dma_wait3A_15 = tpu.memref_slice %arg2[%dma_wait3A, %dma_wait3A_14] : memref<16384x128xf32, #tpu.memory_space<hbm>> -> memref<16384x128xf32, #tpu.memory_space<hbm>>
      tpu.wait_indirect_dma semaphore(%arg7 : memref<!tpu.dma_semaphore, #tpu.memory_space<semaphore_mem>>) src(%dma_wait3A_15 : memref<16384x128xf32, #tpu.memory_space<hbm>>) dst(%arg6 : memref<128x128xf32, #tpu.memory_space<vmem>>)
      "tpu.region"() ({
        %run_scoped3A = tpu.sem_alloc : memref<!tpu.dma_semaphore, #tpu.memory_space<semaphore_mem>>
        %dma_start3A_16 = arith.constant 0 : i32
        %dma_start3A_17 = tpu.memref_slice %arg4[%add3A_11, %dma_start3A_16] : memref<32768x128xf32, #tpu.memory_space<hbm>> -> memref<128x128xf32, #tpu.memory_space<hbm>>
        %dma_start3A_18 = arith.constant 0 : i32
        %dma_start3A_19 = tpu.memref_slice %arg4[%add3A_11, %dma_start3A_18] : memref<32768x128xf32, #tpu.memory_space<hbm>> -> memref<128x128xf32, #tpu.memory_space<hbm>>
        tpu.enqueue_dma source(%arg6 : memref<128x128xf32, #tpu.memory_space<vmem>>) target(%dma_start3A_19 : memref<128x128xf32, #tpu.memory_space<hbm>>) target_semaphore(%run_scoped3A : memref<!tpu.dma_semaphore, #tpu.memory_space<semaphore_mem>>)
        %dma_wait3A_20 = arith.constant 0 : i32
        %dma_wait3A_21 = tpu.memref_slice %arg4[%add3A_11, %dma_wait3A_20] : memref<32768x128xf32, #tpu.memory_space<hbm>> -> memref<128x128xf32, #tpu.memory_space<hbm>>
        %dma_wait3A_22 = arith.constant 0 : i32
        %dma_wait3A_23 = tpu.memref_slice %arg4[%add3A_11, %dma_wait3A_22] : memref<32768x128xf32, #tpu.memory_space<hbm>> -> memref<128x128xf32, #tpu.memory_space<hbm>>
        tpu.wait_dma2 semaphore(%run_scoped3A : memref<!tpu.dma_semaphore, #tpu.memory_space<semaphore_mem>>) src(%arg6 : memref<128x128xf32, #tpu.memory_space<vmem>>) dst(%dma_wait3A_23 : memref<128x128xf32, #tpu.memory_space<hbm>>)
        tpu.yield
      }) : () -> ()
    }
    %scan3A_7 = arith.constant 8 : i32
    return
  }
}

#map = affine_map<(d0, d1) -> (0, 0)>
#map1 = affine_map<(d0, d1) -> (0)>
module attributes {stable_mosaic.version = 14 : i64} {
  func.func @gather_k(%arg0: i32, %arg1: i32, %arg2: memref<16384x128xf32, #tpu.memory_space<hbm>>, %arg3: memref<32768xi32, #tpu.memory_space<hbm>>, %arg4: memref<32768x128xf32, #tpu.memory_space<hbm>>, %arg5: memref<128xi32, #tpu.memory_space<vmem>>, %arg6: memref<128x128xf32, #tpu.memory_space<vmem>>, %arg7: memref<!tpu.dma_semaphore, #tpu.memory_space<semaphore_mem>>) attributes {dimension_semantics = [#tpu.dimension_semantics<core_parallel>, #tpu.dimension_semantics<subcore_parallel>], iteration_bounds = array<i64: 2, 16>, scalar_prefetch = 0 : i64, scratch_operands = 3 : i64, tpu.core_type = #tpu.core_type<sc_vector_subcore>, window_params = [{transform_indices = #map}, {transform_indices = #map1}, {transform_indices = #map}]} {
    %mul3A = arith.constant 2 : i32
    %mul3A_0 = arith.muli %arg1, %mul3A : i32
    %add3A = arith.addi %mul3A_0, %arg0 : i32
    %mul3A_1 = arith.constant 1024 : i32
    %mul3A_2 = arith.muli %add3A, %mul3A_1 : i32
    %scan3A = arith.constant 0 : i32
    %scan3A_3 = arith.constant 0 : i32
    %scan3A_4 = arith.constant 8 : i32
    %scan3A_5 = arith.addi %scan3A_3, %scan3A_4 : i32
    %scan3A_6 = arith.constant 1 : i32
    scf.for %scan3A_8 = %scan3A_3 to %scan3A_5 step %scan3A_6  : i32 {
      %mul3A_9 = arith.constant 128 : i32
      %mul3A_10 = arith.muli %scan3A_8, %mul3A_9 : i32
      %add3A_11 = arith.addi %mul3A_2, %mul3A_10 : i32
      "tpu.region"() ({
        %run_scoped3A = tpu.sem_alloc : memref<!tpu.dma_semaphore, #tpu.memory_space<semaphore_mem>>
        %dma_start3A_16 = tpu.memref_slice %arg3[%add3A_11] : memref<32768xi32, #tpu.memory_space<hbm>> -> memref<128xi32, #tpu.memory_space<hbm>>
        %dma_start3A_17 = tpu.memref_slice %arg3[%add3A_11] : memref<32768xi32, #tpu.memory_space<hbm>> -> memref<128xi32, #tpu.memory_space<hbm>>
        tpu.enqueue_dma source(%dma_start3A_17 : memref<128xi32, #tpu.memory_space<hbm>>) target(%arg5 : memref<128xi32, #tpu.memory_space<vmem>>) target_semaphore(%run_scoped3A : memref<!tpu.dma_semaphore, #tpu.memory_space<semaphore_mem>>)
        %dma_wait3A_18 = tpu.memref_slice %arg3[%add3A_11] : memref<32768xi32, #tpu.memory_space<hbm>> -> memref<128xi32, #tpu.memory_space<hbm>>
        %dma_wait3A_19 = tpu.memref_slice %arg3[%add3A_11] : memref<32768xi32, #tpu.memory_space<hbm>> -> memref<128xi32, #tpu.memory_space<hbm>>
        tpu.wait_dma2 semaphore(%run_scoped3A : memref<!tpu.dma_semaphore, #tpu.memory_space<semaphore_mem>>) src(%dma_wait3A_19 : memref<128xi32, #tpu.memory_space<hbm>>) dst(%arg5 : memref<128xi32, #tpu.memory_space<vmem>>)
        tpu.yield
      }) : () -> ()
      %dma_start3A = arith.constant 0 : i32
      %dma_start3A_12 = arith.constant 0 : i32
      %dma_start3A_13 = tpu.memref_slice %arg2[%dma_start3A, %dma_start3A_12] : memref<16384x128xf32, #tpu.memory_space<hbm>> -> memref<16384x128xf32, #tpu.memory_space<hbm>>
      tpu.enqueue_indirect_dma source(%dma_start3A_13 : memref<16384x128xf32, #tpu.memory_space<hbm>>) target(%arg6 : memref<128x128xf32, #tpu.memory_space<vmem>>) offsets(%arg5 : memref<128xi32, #tpu.memory_space<vmem>>) semaphore(%arg7 : memref<!tpu.dma_semaphore, #tpu.memory_space<semaphore_mem>>)
      %dma_wait3A = arith.constant 0 : i32
      %dma_wait3A_14 = arith.constant 0 : i32
      %dma_wait3A_15 = tpu.memref_slice %arg2[%dma_wait3A, %dma_wait3A_14] : memref<16384x128xf32, #tpu.memory_space<hbm>> -> memref<16384x128xf32, #tpu.memory_space<hbm>>
      tpu.wait_indirect_dma semaphore(%arg7 : memref<!tpu.dma_semaphore, #tpu.memory_space<semaphore_mem>>) src(%dma_wait3A_15 : memref<16384x128xf32, #tpu.memory_space<hbm>>) dst(%arg6 : memref<128x128xf32, #tpu.memory_space<vmem>>)
      "tpu.region"() ({
        %run_scoped3A = tpu.sem_alloc : memref<!tpu.dma_semaphore, #tpu.memory_space<semaphore_mem>>
        %dma_start3A_16 = arith.constant 0 : i32
        %dma_start3A_17 = tpu.memref_slice %arg4[%add3A_11, %dma_start3A_16] : memref<32768x128xf32, #tpu.memory_space<hbm>> -> memref<128x128xf32, #tpu.memory_space<hbm>>
        %dma_start3A_18 = arith.constant 0 : i32
        %dma_start3A_19 = tpu.memref_slice %arg4[%add3A_11, %dma_start3A_18] : memref<32768x128xf32, #tpu.memory_space<hbm>> -> memref<128x128xf32, #tpu.memory_space<hbm>>
        tpu.enqueue_dma source(%arg6 : memref<128x128xf32, #tpu.memory_space<vmem>>) target(%dma_start3A_19 : memref<128x128xf32, #tpu.memory_space<hbm>>) target_semaphore(%run_scoped3A : memref<!tpu.dma_semaphore, #tpu.memory_space<semaphore_mem>>)
        %dma_wait3A_20 = arith.constant 0 : i32
        %dma_wait3A_21 = tpu.memref_slice %arg4[%add3A_11, %dma_wait3A_20] : memref<32768x128xf32, #tpu.memory_space<hbm>> -> memref<128x128xf32, #tpu.memory_space<hbm>>
        %dma_wait3A_22 = arith.constant 0 : i32
        %dma_wait3A_23 = tpu.memref_slice %arg4[%add3A_11, %dma_wait3A_22] : memref<32768x128xf32, #tpu.memory_space<hbm>> -> memref<128x128xf32, #tpu.memory_space<hbm>>
        tpu.wait_dma2 semaphore(%run_scoped3A : memref<!tpu.dma_semaphore, #tpu.memory_space<semaphore_mem>>) src(%arg6 : memref<128x128xf32, #tpu.memory_space<vmem>>) dst(%dma_wait3A_23 : memref<128x128xf32, #tpu.memory_space<hbm>>)
        tpu.yield
      }) : () -> ()
    }
    %scan3A_7 = arith.constant 8 : i32
    return
  }
}

module attributes {stable_mosaic.version = 14 : i64} {
  func.func @_knn_body(%arg0: i32, %arg1: i32, %arg2: memref<1x256x3xf32, #tpu.memory_space<vmem>>, %arg3: memref<1x3x4096xf32, #tpu.memory_space<vmem>>, %arg4: memref<1x256x8xi32, #tpu.memory_space<vmem>>) attributes {dimension_semantics = [#tpu.dimension_semantics<arbitrary>, #tpu.dimension_semantics<arbitrary>], iteration_bounds = array<i64: 1, 16>, scalar_prefetch = 0 : i64, scratch_operands = 0 : i64, tpu.core_type = #tpu.core_type<tc>, window_params = [{transform_indices = @transform_0, window_bounds = array<i64: 1, 256, 3>}, {transform_indices = @transform_1, window_bounds = array<i64: 1, 3, 4096>}, {transform_indices = @transform_2, window_bounds = array<i64: 1, 256, 8>}]} {
    %get3A = arith.constant 0 : index
    %get3A_0 = arith.constant 0 : index
    %get3A_1 = arith.constant 0 : index
    %get3A_2 = vector.load %arg2[%get3A, %get3A_0, %get3A_1] : memref<1x256x3xf32, #tpu.memory_space<vmem>>, vector<1x256x3xf32>
    %get3A_3 = vector.shape_cast %get3A_2 : vector<1x256x3xf32> to vector<256x3xf32>
    %get3A_4 = arith.constant 0 : index
    %get3A_5 = arith.constant 0 : index
    %get3A_6 = arith.constant 0 : index
    %get3A_7 = vector.load %arg3[%get3A_4, %get3A_5, %get3A_6] : memref<1x3x4096xf32, #tpu.memory_space<vmem>>, vector<1x3x4096xf32>
    %get3A_8 = vector.shape_cast %get3A_7 : vector<1x3x4096xf32> to vector<3x4096xf32>
    %dot_general3A = arith.constant dense<0.000000e+00> : vector<256x4096xf32>
    %dot_general3A_9 = tpu.matmul %get3A_3, %get3A_8, %dot_general3A {dimension_numbers = #tpu.dot_dimension_numbers<[1], [0], [0], [1], [0, 0, 1, 1], [], []>, transpose_lhs_hint = false} : vector<256x3xf32>, vector<3x4096xf32>, vector<256x4096xf32> -> vector<256x4096xf32>
    %mul3A = arith.mulf %get3A_3, %get3A_3 : vector<256x3xf32>
    %reduce_sum3A = arith.constant dense<0.000000e+00> : vector<256xf32>
    %reduce_sum3A_10 = vector.multi_reduction <add>, %mul3A, %reduce_sum3A [1] : vector<256x3xf32> to vector<256xf32>
    %broadcast_in_dim3A = vector.shape_cast %reduce_sum3A_10 : vector<256xf32> to vector<256x1xf32>
    %mul3A_11 = arith.mulf %get3A_8, %get3A_8 : vector<3x4096xf32>
    %reduce_sum3A_12 = arith.constant dense<0.000000e+00> : vector<4096xf32>
    %reduce_sum3A_13 = vector.multi_reduction <add>, %mul3A_11, %reduce_sum3A_12 [0] : vector<3x4096xf32> to vector<4096xf32>
    %broadcast_in_dim3A_14 = vector.shape_cast %reduce_sum3A_13 : vector<4096xf32> to vector<1x4096xf32>
    %add3A = vector.broadcast %broadcast_in_dim3A : vector<256x1xf32> to vector<256x4096xf32>
    %add3A_15 = vector.broadcast %broadcast_in_dim3A_14 : vector<1x4096xf32> to vector<256x4096xf32>
    %add3A_16 = arith.addf %add3A, %add3A_15 : vector<256x4096xf32>
    %mul3A_17 = arith.constant -2.000000e+00 : f32
    %mul3A_18 = vector.broadcast %mul3A_17 : f32 to vector<256x4096xf32>
    %mul3A_19 = arith.mulf %mul3A_18, %dot_general3A_9 : vector<256x4096xf32>
    %add3A_20 = arith.addf %add3A_16, %mul3A_19 : vector<256x4096xf32>
    %iota3A = tpu.iota {dimensions = array<i32: 0>} : vector<256x4096xi32>
    %mul3A_21 = arith.constant 256 : i32
    %mul3A_22 = arith.muli %arg1, %mul3A_21 : i32
    %add3A_23 = vector.broadcast %mul3A_22 : i32 to vector<256x4096xi32>
    %add3A_24 = arith.addi %iota3A, %add3A_23 : vector<256x4096xi32>
    %iota3A_25 = tpu.iota {dimensions = array<i32: 1>} : vector<256x4096xi32>
    %convert_element_type3A = arith.sitofp %iota3A_25 : vector<256x4096xi32> to vector<256x4096xf32>
    %eq3A = arith.cmpi eq, %add3A_24, %iota3A_25 : vector<256x4096xi32>
    %jit3A = arith.constant 1.000000e+09 : f32
    %broadcast_in_dim3A_26 = vector.broadcast %jit3A : f32 to vector<256x4096xf32>
    %select_n3A = arith.select %eq3A, %broadcast_in_dim3A_26, %add3A_20 : vector<256x4096xi1>, vector<256x4096xf32>
    %mul3A_27 = arith.constant 4096 : i32
    %mul3A_28 = arith.muli %arg0, %mul3A_27 : i32
    %reduce_min3A = arith.constant dense<0x7F800000> : vector<256xf32>
    %reduce_min3A_29 = vector.multi_reduction <minimumf>, %select_n3A, %reduce_min3A [1] : vector<256x4096xf32> to vector<256xf32>
    %broadcast_in_dim3A_30 = vector.shape_cast %reduce_min3A_29 : vector<256xf32> to vector<256x1xf32>
    %eq3A_31 = vector.broadcast %broadcast_in_dim3A_30 : vector<256x1xf32> to vector<256x4096xf32>
    %eq3A_32 = arith.cmpf oeq, %select_n3A, %eq3A_31 : vector<256x4096xf32>
    %jit3A_33 = arith.constant 4.096000e+03 : f32
    %broadcast_in_dim3A_34 = vector.broadcast %jit3A_33 : f32 to vector<256x4096xf32>
    %select_n3A_35 = arith.select %eq3A_32, %convert_element_type3A, %broadcast_in_dim3A_34 : vector<256x4096xi1>, vector<256x4096xf32>
    %reduce_min3A_36 = arith.constant dense<0x7F800000> : vector<256xf32>
    %reduce_min3A_37 = vector.multi_reduction <minimumf>, %select_n3A_35, %reduce_min3A_36 [1] : vector<256x4096xf32> to vector<256xf32>
    %broadcast_in_dim3A_38 = vector.shape_cast %reduce_min3A_37 : vector<256xf32> to vector<256x1xf32>
    %convert_element_type3A_39 = arith.fptosi %broadcast_in_dim3A_38 : vector<256x1xf32> to vector<256x1xi32>
    %add3A_40 = vector.broadcast %mul3A_28 : i32 to vector<256x1xi32>
    %add3A_41 = arith.addi %convert_element_type3A_39, %add3A_40 : vector<256x1xi32>
    %swap3A = arith.constant 0 : index
    %swap3A_42 = arith.constant 0 : index
    %swap3A_43 = arith.constant 0 : index
    %swap3A_44 = vector.load %arg4[%swap3A, %swap3A_42, %swap3A_43] : memref<1x256x8xi32, #tpu.memory_space<vmem>>, vector<1x256x1xi32>
    %swap3A_45 = vector.shape_cast %swap3A_44 : vector<1x256x1xi32> to vector<256x1xi32>
    %swap3A_46 = vector.shape_cast %add3A_41 : vector<256x1xi32> to vector<1x256x1xi32>
    tpu.vector_store %arg4[%swap3A, %swap3A_42, %swap3A_43], %swap3A_46 {strides = array<i32>} : memref<1x256x8xi32, #tpu.memory_space<vmem>>, vector<1x256x1xi32>,
    %jit3A_47 = arith.constant 3.000000e+38 : f32
    %broadcast_in_dim3A_48 = vector.broadcast %jit3A_47 : f32 to vector<256x4096xf32>
    %select_n3A_49 = arith.select %eq3A_32, %broadcast_in_dim3A_48, %select_n3A : vector<256x4096xi1>, vector<256x4096xf32>
    %reduce_min3A_50 = arith.constant dense<0x7F800000> : vector<256xf32>
    %reduce_min3A_51 = vector.multi_reduction <minimumf>, %select_n3A_49, %reduce_min3A_50 [1] : vector<256x4096xf32> to vector<256xf32>
    %broadcast_in_dim3A_52 = vector.shape_cast %reduce_min3A_51 : vector<256xf32> to vector<256x1xf32>
    %eq3A_53 = vector.broadcast %broadcast_in_dim3A_52 : vector<256x1xf32> to vector<256x4096xf32>
    %eq3A_54 = arith.cmpf oeq, %select_n3A_49, %eq3A_53 : vector<256x4096xf32>
    %jit3A_55 = arith.constant 4.096000e+03 : f32
    %broadcast_in_dim3A_56 = vector.broadcast %jit3A_55 : f32 to vector<256x4096xf32>
    %select_n3A_57 = arith.select %eq3A_54, %convert_element_type3A, %broadcast_in_dim3A_56 : vector<256x4096xi1>, vector<256x4096xf32>
    %reduce_min3A_58 = arith.constant dense<0x7F800000> : vector<256xf32>
    %reduce_min3A_59 = vector.multi_reduction <minimumf>, %select_n3A_57, %reduce_min3A_58 [1] : vector<256x4096xf32> to vector<256xf32>
    %broadcast_in_dim3A_60 = vector.shape_cast %reduce_min3A_59 : vector<256xf32> to vector<256x1xf32>
    %convert_element_type3A_61 = arith.fptosi %broadcast_in_dim3A_60 : vector<256x1xf32> to vector<256x1xi32>
    %add3A_62 = vector.broadcast %mul3A_28 : i32 to vector<256x1xi32>
    %add3A_63 = arith.addi %convert_element_type3A_61, %add3A_62 : vector<256x1xi32>
    %swap3A_64 = arith.constant 0 : index
    %swap3A_65 = arith.constant 0 : index
    %swap3A_66 = arith.constant 1 : index
    %swap3A_67 = vector.load %arg4[%swap3A_64, %swap3A_65, %swap3A_66] : memref<1x256x8xi32, #tpu.memory_space<vmem>>, vector<1x256x1xi32>
    %swap3A_68 = vector.shape_cast %swap3A_67 : vector<1x256x1xi32> to vector<256x1xi32>
    %swap3A_69 = vector.shape_cast %add3A_63 : vector<256x1xi32> to vector<1x256x1xi32>
    tpu.vector_store %arg4[%swap3A_64, %swap3A_65, %swap3A_66], %swap3A_69 {strides = array<i32>} : memref<1x256x8xi32, #tpu.memory_space<vmem>>, vector<1x256x1xi32>,
    %jit3A_70 = arith.constant 3.000000e+38 : f32
    %broadcast_in_dim3A_71 = vector.broadcast %jit3A_70 : f32 to vector<256x4096xf32>
    %select_n3A_72 = arith.select %eq3A_54, %broadcast_in_dim3A_71, %select_n3A_49 : vector<256x4096xi1>, vector<256x4096xf32>
    %reduce_min3A_73 = arith.constant dense<0x7F800000> : vector<256xf32>
    %reduce_min3A_74 = vector.multi_reduction <minimumf>, %select_n3A_72, %reduce_min3A_73 [1] : vector<256x4096xf32> to vector<256xf32>
    %broadcast_in_dim3A_75 = vector.shape_cast %reduce_min3A_74 : vector<256xf32> to vector<256x1xf32>
    %eq3A_76 = vector.broadcast %broadcast_in_dim3A_75 : vector<256x1xf32> to vector<256x4096xf32>
    %eq3A_77 = arith.cmpf oeq, %select_n3A_72, %eq3A_76 : vector<256x4096xf32>
    %jit3A_78 = arith.constant 4.096000e+03 : f32
    %broadcast_in_dim3A_79 = vector.broadcast %jit3A_78 : f32 to vector<256x4096xf32>
    %select_n3A_80 = arith.select %eq3A_77, %convert_element_type3A, %broadcast_in_dim3A_79 : vector<256x4096xi1>, vector<256x4096xf32>
    %reduce_min3A_81 = arith.constant dense<0x7F800000> : vector<256xf32>
    %reduce_min3A_82 = vector.multi_reduction <minimumf>, %select_n3A_80, %reduce_min3A_81 [1] : vector<256x4096xf32> to vector<256xf32>
    %broadcast_in_dim3A_83 = vector.shape_cast %reduce_min3A_82 : vector<256xf32> to vector<256x1xf32>
    %convert_element_type3A_84 = arith.fptosi %broadcast_in_dim3A_83 : vector<256x1xf32> to vector<256x1xi32>
    %add3A_85 = vector.broadcast %mul3A_28 : i32 to vector<256x1xi32>
    %add3A_86 = arith.addi %convert_element_type3A_84, %add3A_85 : vector<256x1xi32>
    %swap3A_87 = arith.constant 0 : index
    %swap3A_88 = arith.constant 0 : index
    %swap3A_89 = arith.constant 2 : index
    %swap3A_90 = vector.load %arg4[%swap3A_87, %swap3A_88, %swap3A_89] : memref<1x256x8xi32, #tpu.memory_space<vmem>>, vector<1x256x1xi32>
    %swap3A_91 = vector.shape_cast %swap3A_90 : vector<1x256x1xi32> to vector<256x1xi32>
    %swap3A_92 = vector.shape_cast %add3A_86 : vector<256x1xi32> to vector<1x256x1xi32>
    tpu.vector_store %arg4[%swap3A_87, %swap3A_88, %swap3A_89], %swap3A_92 {strides = array<i32>} : memref<1x256x8xi32, #tpu.memory_space<vmem>>, vector<1x256x1xi32>,
    %jit3A_93 = arith.constant 3.000000e+38 : f32
    %broadcast_in_dim3A_94 = vector.broadcast %jit3A_93 : f32 to vector<256x4096xf32>
    %select_n3A_95 = arith.select %eq3A_77, %broadcast_in_dim3A_94, %select_n3A_72 : vector<256x4096xi1>, vector<256x4096xf32>
    %reduce_min3A_96 = arith.constant dense<0x7F800000> : vector<256xf32>
    %reduce_min3A_97 = vector.multi_reduction <minimumf>, %select_n3A_95, %reduce_min3A_96 [1] : vector<256x4096xf32> to vector<256xf32>
    %broadcast_in_dim3A_98 = vector.shape_cast %reduce_min3A_97 : vector<256xf32> to vector<256x1xf32>
    %eq3A_99 = vector.broadcast %broadcast_in_dim3A_98 : vector<256x1xf32> to vector<256x4096xf32>
    %eq3A_100 = arith.cmpf oeq, %select_n3A_95, %eq3A_99 : vector<256x4096xf32>
    %jit3A_101 = arith.constant 4.096000e+03 : f32
    %broadcast_in_dim3A_102 = vector.broadcast %jit3A_101 : f32 to vector<256x4096xf32>
    %select_n3A_103 = arith.select %eq3A_100, %convert_element_type3A, %broadcast_in_dim3A_102 : vector<256x4096xi1>, vector<256x4096xf32>
    %reduce_min3A_104 = arith.constant dense<0x7F800000> : vector<256xf32>
    %reduce_min3A_105 = vector.multi_reduction <minimumf>, %select_n3A_103, %reduce_min3A_104 [1] : vector<256x4096xf32> to vector<256xf32>
    %broadcast_in_dim3A_106 = vector.shape_cast %reduce_min3A_105 : vector<256xf32> to vector<256x1xf32>
    %convert_element_type3A_107 = arith.fptosi %broadcast_in_dim3A_106 : vector<256x1xf32> to vector<256x1xi32>
    %add3A_108 = vector.broadcast %mul3A_28 : i32 to vector<256x1xi32>
    %add3A_109 = arith.addi %convert_element_type3A_107, %add3A_108 : vector<256x1xi32>
    %swap3A_110 = arith.constant 0 : index
    %swap3A_111 = arith.constant 0 : index
    %swap3A_112 = arith.constant 3 : index
    %swap3A_113 = vector.load %arg4[%swap3A_110, %swap3A_111, %swap3A_112] : memref<1x256x8xi32, #tpu.memory_space<vmem>>, vector<1x256x1xi32>
    %swap3A_114 = vector.shape_cast %swap3A_113 : vector<1x256x1xi32> to vector<256x1xi32>
    %swap3A_115 = vector.shape_cast %add3A_109 : vector<256x1xi32> to vector<1x256x1xi32>
    tpu.vector_store %arg4[%swap3A_110, %swap3A_111, %swap3A_112], %swap3A_115 {strides = array<i32>} : memref<1x256x8xi32, #tpu.memory_space<vmem>>, vector<1x256x1xi32>,
    %jit3A_116 = arith.constant 3.000000e+38 : f32
    %broadcast_in_dim3A_117 = vector.broadcast %jit3A_116 : f32 to vector<256x4096xf32>
    %select_n3A_118 = arith.select %eq3A_100, %broadcast_in_dim3A_117, %select_n3A_95 : vector<256x4096xi1>, vector<256x4096xf32>
    %reduce_min3A_119 = arith.constant dense<0x7F800000> : vector<256xf32>
    %reduce_min3A_120 = vector.multi_reduction <minimumf>, %select_n3A_118, %reduce_min3A_119 [1] : vector<256x4096xf32> to vector<256xf32>
    %broadcast_in_dim3A_121 = vector.shape_cast %reduce_min3A_120 : vector<256xf32> to vector<256x1xf32>
    %eq3A_122 = vector.broadcast %broadcast_in_dim3A_121 : vector<256x1xf32> to vector<256x4096xf32>
    %eq3A_123 = arith.cmpf oeq, %select_n3A_118, %eq3A_122 : vector<256x4096xf32>
    %jit3A_124 = arith.constant 4.096000e+03 : f32
    %broadcast_in_dim3A_125 = vector.broadcast %jit3A_124 : f32 to vector<256x4096xf32>
    %select_n3A_126 = arith.select %eq3A_123, %convert_element_type3A, %broadcast_in_dim3A_125 : vector<256x4096xi1>, vector<256x4096xf32>
    %reduce_min3A_127 = arith.constant dense<0x7F800000> : vector<256xf32>
    %reduce_min3A_128 = vector.multi_reduction <minimumf>, %select_n3A_126, %reduce_min3A_127 [1] : vector<256x4096xf32> to vector<256xf32>
    %broadcast_in_dim3A_129 = vector.shape_cast %reduce_min3A_128 : vector<256xf32> to vector<256x1xf32>
    %convert_element_type3A_130 = arith.fptosi %broadcast_in_dim3A_129 : vector<256x1xf32> to vector<256x1xi32>
    %add3A_131 = vector.broadcast %mul3A_28 : i32 to vector<256x1xi32>
    %add3A_132 = arith.addi %convert_element_type3A_130, %add3A_131 : vector<256x1xi32>
    %swap3A_133 = arith.constant 0 : index
    %swap3A_134 = arith.constant 0 : index
    %swap3A_135 = arith.constant 4 : index
    %swap3A_136 = vector.load %arg4[%swap3A_133, %swap3A_134, %swap3A_135] : memref<1x256x8xi32, #tpu.memory_space<vmem>>, vector<1x256x1xi32>
    %swap3A_137 = vector.shape_cast %swap3A_136 : vector<1x256x1xi32> to vector<256x1xi32>
    %swap3A_138 = vector.shape_cast %add3A_132 : vector<256x1xi32> to vector<1x256x1xi32>
    tpu.vector_store %arg4[%swap3A_133, %swap3A_134, %swap3A_135], %swap3A_138 {strides = array<i32>} : memref<1x256x8xi32, #tpu.memory_space<vmem>>, vector<1x256x1xi32>,
    %jit3A_139 = arith.constant 3.000000e+38 : f32
    %broadcast_in_dim3A_140 = vector.broadcast %jit3A_139 : f32 to vector<256x4096xf32>
    %select_n3A_141 = arith.select %eq3A_123, %broadcast_in_dim3A_140, %select_n3A_118 : vector<256x4096xi1>, vector<256x4096xf32>
    %reduce_min3A_142 = arith.constant dense<0x7F800000> : vector<256xf32>
    %reduce_min3A_143 = vector.multi_reduction <minimumf>, %select_n3A_141, %reduce_min3A_142 [1] : vector<256x4096xf32> to vector<256xf32>
    %broadcast_in_dim3A_144 = vector.shape_cast %reduce_min3A_143 : vector<256xf32> to vector<256x1xf32>
    %eq3A_145 = vector.broadcast %broadcast_in_dim3A_144 : vector<256x1xf32> to vector<256x4096xf32>
    %eq3A_146 = arith.cmpf oeq, %select_n3A_141, %eq3A_145 : vector<256x4096xf32>
    %jit3A_147 = arith.constant 4.096000e+03 : f32
    %broadcast_in_dim3A_148 = vector.broadcast %jit3A_147 : f32 to vector<256x4096xf32>
    %select_n3A_149 = arith.select %eq3A_146, %convert_element_type3A, %broadcast_in_dim3A_148 : vector<256x4096xi1>, vector<256x4096xf32>
    %reduce_min3A_150 = arith.constant dense<0x7F800000> : vector<256xf32>
    %reduce_min3A_151 = vector.multi_reduction <minimumf>, %select_n3A_149, %reduce_min3A_150 [1] : vector<256x4096xf32> to vector<256xf32>
    %broadcast_in_dim3A_152 = vector.shape_cast %reduce_min3A_151 : vector<256xf32> to vector<256x1xf32>
    %convert_element_type3A_153 = arith.fptosi %broadcast_in_dim3A_152 : vector<256x1xf32> to vector<256x1xi32>
    %add3A_154 = vector.broadcast %mul3A_28 : i32 to vector<256x1xi32>
    %add3A_155 = arith.addi %convert_element_type3A_153, %add3A_154 : vector<256x1xi32>
    %swap3A_156 = arith.constant 0 : index
    %swap3A_157 = arith.constant 0 : index
    %swap3A_158 = arith.constant 5 : index
    %swap3A_159 = vector.load %arg4[%swap3A_156, %swap3A_157, %swap3A_158] : memref<1x256x8xi32, #tpu.memory_space<vmem>>, vector<1x256x1xi32>
    %swap3A_160 = vector.shape_cast %swap3A_159 : vector<1x256x1xi32> to vector<256x1xi32>
    %swap3A_161 = vector.shape_cast %add3A_155 : vector<256x1xi32> to vector<1x256x1xi32>
    tpu.vector_store %arg4[%swap3A_156, %swap3A_157, %swap3A_158], %swap3A_161 {strides = array<i32>} : memref<1x256x8xi32, #tpu.memory_space<vmem>>, vector<1x256x1xi32>,
    %jit3A_162 = arith.constant 3.000000e+38 : f32
    %broadcast_in_dim3A_163 = vector.broadcast %jit3A_162 : f32 to vector<256x4096xf32>
    %select_n3A_164 = arith.select %eq3A_146, %broadcast_in_dim3A_163, %select_n3A_141 : vector<256x4096xi1>, vector<256x4096xf32>
    %reduce_min3A_165 = arith.constant dense<0x7F800000> : vector<256xf32>
    %reduce_min3A_166 = vector.multi_reduction <minimumf>, %select_n3A_164, %reduce_min3A_165 [1] : vector<256x4096xf32> to vector<256xf32>
    %broadcast_in_dim3A_167 = vector.shape_cast %reduce_min3A_166 : vector<256xf32> to vector<256x1xf32>
    %eq3A_168 = vector.broadcast %broadcast_in_dim3A_167 : vector<256x1xf32> to vector<256x4096xf32>
    %eq3A_169 = arith.cmpf oeq, %select_n3A_164, %eq3A_168 : vector<256x4096xf32>
    %jit3A_170 = arith.constant 4.096000e+03 : f32
    %broadcast_in_dim3A_171 = vector.broadcast %jit3A_170 : f32 to vector<256x4096xf32>
    %select_n3A_172 = arith.select %eq3A_169, %convert_element_type3A, %broadcast_in_dim3A_171 : vector<256x4096xi1>, vector<256x4096xf32>
    %reduce_min3A_173 = arith.constant dense<0x7F800000> : vector<256xf32>
    %reduce_min3A_174 = vector.multi_reduction <minimumf>, %select_n3A_172, %reduce_min3A_173 [1] : vector<256x4096xf32> to vector<256xf32>
    %broadcast_in_dim3A_175 = vector.shape_cast %reduce_min3A_174 : vector<256xf32> to vector<256x1xf32>
    %convert_element_type3A_176 = arith.fptosi %broadcast_in_dim3A_175 : vector<256x1xf32> to vector<256x1xi32>
    %add3A_177 = vector.broadcast %mul3A_28 : i32 to vector<256x1xi32>
    %add3A_178 = arith.addi %convert_element_type3A_176, %add3A_177 : vector<256x1xi32>
    %swap3A_179 = arith.constant 0 : index
    %swap3A_180 = arith.constant 0 : index
    %swap3A_181 = arith.constant 6 : index
    %swap3A_182 = vector.load %arg4[%swap3A_179, %swap3A_180, %swap3A_181] : memref<1x256x8xi32, #tpu.memory_space<vmem>>, vector<1x256x1xi32>
    %swap3A_183 = vector.shape_cast %swap3A_182 : vector<1x256x1xi32> to vector<256x1xi32>
    %swap3A_184 = vector.shape_cast %add3A_178 : vector<256x1xi32> to vector<1x256x1xi32>
    tpu.vector_store %arg4[%swap3A_179, %swap3A_180, %swap3A_181], %swap3A_184 {strides = array<i32>} : memref<1x256x8xi32, #tpu.memory_space<vmem>>, vector<1x256x1xi32>,
    %jit3A_185 = arith.constant 3.000000e+38 : f32
    %broadcast_in_dim3A_186 = vector.broadcast %jit3A_185 : f32 to vector<256x4096xf32>
    %select_n3A_187 = arith.select %eq3A_169, %broadcast_in_dim3A_186, %select_n3A_164 : vector<256x4096xi1>, vector<256x4096xf32>
    %reduce_min3A_188 = arith.constant dense<0x7F800000> : vector<256xf32>
    %reduce_min3A_189 = vector.multi_reduction <minimumf>, %select_n3A_187, %reduce_min3A_188 [1] : vector<256x4096xf32> to vector<256xf32>
    %broadcast_in_dim3A_190 = vector.shape_cast %reduce_min3A_189 : vector<256xf32> to vector<256x1xf32>
    %eq3A_191 = vector.broadcast %broadcast_in_dim3A_190 : vector<256x1xf32> to vector<256x4096xf32>
    %eq3A_192 = arith.cmpf oeq, %select_n3A_187, %eq3A_191 : vector<256x4096xf32>
    %jit3A_193 = arith.constant 4.096000e+03 : f32
    %broadcast_in_dim3A_194 = vector.broadcast %jit3A_193 : f32 to vector<256x4096xf32>
    %select_n3A_195 = arith.select %eq3A_192, %convert_element_type3A, %broadcast_in_dim3A_194 : vector<256x4096xi1>, vector<256x4096xf32>
    %reduce_min3A_196 = arith.constant dense<0x7F800000> : vector<256xf32>
    %reduce_min3A_197 = vector.multi_reduction <minimumf>, %select_n3A_195, %reduce_min3A_196 [1] : vector<256x4096xf32> to vector<256xf32>
    %broadcast_in_dim3A_198 = vector.shape_cast %reduce_min3A_197 : vector<256xf32> to vector<256x1xf32>
    %convert_element_type3A_199 = arith.fptosi %broadcast_in_dim3A_198 : vector<256x1xf32> to vector<256x1xi32>
    %add3A_200 = vector.broadcast %mul3A_28 : i32 to vector<256x1xi32>
    %add3A_201 = arith.addi %convert_element_type3A_199, %add3A_200 : vector<256x1xi32>
    %swap3A_202 = arith.constant 0 : index
    %swap3A_203 = arith.constant 0 : index
    %swap3A_204 = arith.constant 7 : index
    %swap3A_205 = vector.load %arg4[%swap3A_202, %swap3A_203, %swap3A_204] : memref<1x256x8xi32, #tpu.memory_space<vmem>>, vector<1x256x1xi32>
    %swap3A_206 = vector.shape_cast %swap3A_205 : vector<1x256x1xi32> to vector<256x1xi32>
    %swap3A_207 = vector.shape_cast %add3A_201 : vector<256x1xi32> to vector<1x256x1xi32>
    tpu.vector_store %arg4[%swap3A_202, %swap3A_203, %swap3A_204], %swap3A_207 {strides = array<i32>} : memref<1x256x8xi32, #tpu.memory_space<vmem>>, vector<1x256x1xi32>,
    return
  }
  func.func @transform_0(%arg0: i32, %arg1: i32) -> (i32, i32, i32) {
    %c0_i32 = arith.constant 0 : i32
    %c0_i32_0 = arith.constant 0 : i32
    return %arg0, %arg1, %c0_i32 : i32, i32, i32
  }
  func.func @transform_1(%arg0: i32, %arg1: i32) -> (i32, i32, i32) {
    %c0_i32 = arith.constant 0 : i32
    %c0_i32_0 = arith.constant 0 : i32
    %c0_i32_1 = arith.constant 0 : i32
    return %arg0, %c0_i32, %c0_i32_0 : i32, i32, i32
  }
  func.func @transform_2(%arg0: i32, %arg1: i32) -> (i32, i32, i32) {
    %c0_i32 = arith.constant 0 : i32
    %c0_i32_0 = arith.constant 0 : i32
    return %arg0, %arg1, %c0_i32 : i32, i32, i32
  }
}

module attributes {stable_mosaic.version = 14 : i64} {
  func.func @_prep_body(%arg0: i32, %arg1: memref<1024x128xf32, #tpu.memory_space<vmem>>, %arg2: memref<1024x128xf32, #tpu.memory_space<vmem>>, %arg3: memref<1x128xf32, #tpu.memory_space<vmem>>, %arg4: memref<1x128xf32, #tpu.memory_space<vmem>>, %arg5: memref<256x128xf32, #tpu.memory_space<vmem>>, %arg6: memref<1x128xf32, #tpu.memory_space<vmem>>, %arg7: memref<256x128xf32, #tpu.memory_space<vmem>>, %arg8: memref<1x128xf32, #tpu.memory_space<vmem>>, %arg9: memref<1024x128xf32, #tpu.memory_space<vmem>>, %arg10: memref<1024x128xf32, #tpu.memory_space<vmem>>, %arg11: memref<1024x128xf32, #tpu.memory_space<vmem>>) attributes {dimension_semantics = [#tpu.dimension_semantics<arbitrary>], iteration_bounds = array<i64: 16>, scalar_prefetch = 0 : i64, scratch_operands = 0 : i64, tpu.core_type = #tpu.core_type<tc>, window_params = [{transform_indices = @transform_0, window_bounds = array<i64: 1024, 128>}, {transform_indices = @transform_1, window_bounds = array<i64: 1024, 128>}, {pipeline_mode = #tpu.pipeline_mode<synchronous>, transform_indices = @transform_2, window_bounds = array<i64: 1, 128>}, {pipeline_mode = #tpu.pipeline_mode<synchronous>, transform_indices = @transform_3, window_bounds = array<i64: 1, 128>}, {pipeline_mode = #tpu.pipeline_mode<synchronous>, transform_indices = @transform_4, window_bounds = array<i64: 256, 128>}, {pipeline_mode = #tpu.pipeline_mode<synchronous>, transform_indices = @transform_5, window_bounds = array<i64: 1, 128>}, {pipeline_mode = #tpu.pipeline_mode<synchronous>, transform_indices = @transform_6, window_bounds = array<i64: 256, 128>}, {pipeline_mode = #tpu.pipeline_mode<synchronous>, transform_indices = @transform_7, window_bounds = array<i64: 1, 128>}, {transform_indices = @transform_8, window_bounds = array<i64: 1024, 128>}, {transform_indices = @transform_9, window_bounds = array<i64: 1024, 128>}, {transform_indices = @transform_10, window_bounds = array<i64: 1024, 128>}]} {
    %get3A = arith.constant 0 : index
    %get3A_0 = arith.constant 0 : index
    %get3A_1 = vector.load %arg1[%get3A, %get3A_0] : memref<1024x128xf32, #tpu.memory_space<vmem>>, vector<1024x128xf32>
    %reduce_sum3A = arith.constant dense<0.000000e+00> : vector<1024xf32>
    %reduce_sum3A_2 = vector.multi_reduction <add>, %get3A_1, %reduce_sum3A [1] : vector<1024x128xf32> to vector<1024xf32>
    %broadcast_in_dim3A = vector.shape_cast %reduce_sum3A_2 : vector<1024xf32> to vector<1024x1xf32>
    %div3A = arith.constant 1.280000e+02 : f32
    %div3A_3 = vector.broadcast %div3A : f32 to vector<1024x1xf32>
    %div3A_4 = arith.divf %broadcast_in_dim3A, %div3A_3 : vector<1024x1xf32>
    %sub3A = vector.broadcast %div3A_4 : vector<1024x1xf32> to vector<1024x128xf32>
    %sub3A_5 = arith.subf %get3A_1, %sub3A : vector<1024x128xf32>
    %integer_pow3A = arith.mulf %sub3A_5, %sub3A_5 : vector<1024x128xf32>
    %reduce_sum3A_6 = arith.constant dense<0.000000e+00> : vector<1024xf32>
    %reduce_sum3A_7 = vector.multi_reduction <add>, %integer_pow3A, %reduce_sum3A_6 [1] : vector<1024x128xf32> to vector<1024xf32>
    %broadcast_in_dim3A_8 = vector.shape_cast %reduce_sum3A_7 : vector<1024xf32> to vector<1024x1xf32>
    %div3A_9 = arith.constant 1.280000e+02 : f32
    %div3A_10 = vector.broadcast %div3A_9 : f32 to vector<1024x1xf32>
    %div3A_11 = arith.divf %broadcast_in_dim3A_8, %div3A_10 : vector<1024x1xf32>
    %sub3A_12 = vector.broadcast %div3A_4 : vector<1024x1xf32> to vector<1024x128xf32>
    %sub3A_13 = arith.subf %get3A_1, %sub3A_12 : vector<1024x128xf32>
    %add3A = arith.constant 9.99999974E-6 : f32
    %add3A_14 = vector.broadcast %add3A : f32 to vector<1024x1xf32>
    %add3A_15 = arith.addf %div3A_11, %add3A_14 : vector<1024x1xf32>
    %sqrt3A = math.sqrt %add3A_15 : vector<1024x1xf32>
    %div3A_16 = vector.broadcast %sqrt3A : vector<1024x1xf32> to vector<1024x128xf32>
    %div3A_17 = arith.divf %sub3A_13, %div3A_16 : vector<1024x128xf32>
    %get3A_18 = arith.constant 0 : index
    %get3A_19 = arith.constant 0 : index
    %get3A_20 = vector.load %arg3[%get3A_18, %get3A_19] : memref<1x128xf32, #tpu.memory_space<vmem>>, vector<1x128xf32>
    %mul3A = vector.broadcast %get3A_20 : vector<1x128xf32> to vector<1024x128xf32>
    %mul3A_21 = arith.mulf %div3A_17, %mul3A : vector<1024x128xf32>
    %get3A_22 = arith.constant 0 : index
    %get3A_23 = arith.constant 0 : index
    %get3A_24 = vector.load %arg4[%get3A_22, %get3A_23] : memref<1x128xf32, #tpu.memory_space<vmem>>, vector<1x128xf32>
    %add3A_25 = vector.broadcast %get3A_24 : vector<1x128xf32> to vector<1024x128xf32>
    %add3A_26 = arith.addf %mul3A_21, %add3A_25 : vector<1024x128xf32>
    %get3A_27 = arith.constant 0 : index
    %get3A_28 = arith.constant 0 : index
    %get3A_29 = vector.load %arg2[%get3A_27, %get3A_28] : memref<1024x128xf32, #tpu.memory_space<vmem>>, vector<1024x128xf32>
    %add3A_30 = arith.addf %add3A_26, %get3A_29 : vector<1024x128xf32>
    %swap3A = arith.constant 0 : index
    %swap3A_31 = arith.constant 0 : index
    %swap3A_32 = vector.load %arg9[%swap3A, %swap3A_31] : memref<1024x128xf32, #tpu.memory_space<vmem>>, vector<1024x128xf32>
    tpu.vector_store %arg9[%swap3A, %swap3A_31], %add3A_30 {strides = array<i32>} : memref<1024x128xf32, #tpu.memory_space<vmem>>, vector<1024x128xf32>,
    %get3A_33 = arith.constant 0 : index
    %get3A_34 = arith.constant 0 : index
    %get3A_35 = vector.load %arg5[%get3A_33, %get3A_34] : memref<256x128xf32, #tpu.memory_space<vmem>>, vector<128x128xf32>
    %dot_general3A = arith.constant dense<0.000000e+00> : vector<1024x128xf32>
    %dot_general3A_36 = tpu.matmul %add3A_30, %get3A_35, %dot_general3A {dimension_numbers = #tpu.dot_dimension_numbers<[1], [0], [0], [1], [0, 0, 1, 1], [], []>, transpose_lhs_hint = false} : vector<1024x128xf32>, vector<128x128xf32>, vector<1024x128xf32> -> vector<1024x128xf32>
    %get3A_37 = arith.constant 0 : index
    %get3A_38 = arith.constant 0 : index
    %get3A_39 = vector.load %arg6[%get3A_37, %get3A_38] : memref<1x128xf32, #tpu.memory_space<vmem>>, vector<1x128xf32>
    %add3A_40 = vector.broadcast %get3A_39 : vector<1x128xf32> to vector<1024x128xf32>
    %add3A_41 = arith.addf %dot_general3A_36, %add3A_40 : vector<1024x128xf32>
    %swap3A_42 = arith.constant 0 : index
    %swap3A_43 = arith.constant 0 : index
    %swap3A_44 = vector.load %arg10[%swap3A_42, %swap3A_43] : memref<1024x128xf32, #tpu.memory_space<vmem>>, vector<1024x128xf32>
    tpu.vector_store %arg10[%swap3A_42, %swap3A_43], %add3A_41 {strides = array<i32>} : memref<1024x128xf32, #tpu.memory_space<vmem>>, vector<1024x128xf32>,
    %get3A_45 = arith.constant 0 : index
    %get3A_46 = arith.constant 0 : index
    %get3A_47 = vector.load %arg7[%get3A_45, %get3A_46] : memref<256x128xf32, #tpu.memory_space<vmem>>, vector<128x128xf32>
    %get3A_48 = arith.constant 128 : index
    %get3A_49 = arith.constant 0 : index
    %get3A_50 = vector.load %arg7[%get3A_48, %get3A_49] : memref<256x128xf32, #tpu.memory_space<vmem>>, vector<128x128xf32>
    %sub3A_51 = arith.subf %get3A_47, %get3A_50 : vector<128x128xf32>
    %dot_general3A_52 = arith.constant dense<0.000000e+00> : vector<1024x128xf32>
    %dot_general3A_53 = tpu.matmul %add3A_30, %sub3A_51, %dot_general3A_52 {dimension_numbers = #tpu.dot_dimension_numbers<[1], [0], [0], [1], [0, 0, 1, 1], [], []>, transpose_lhs_hint = false} : vector<1024x128xf32>, vector<128x128xf32>, vector<1024x128xf32> -> vector<1024x128xf32>
    %get3A_54 = arith.constant 0 : index
    %get3A_55 = arith.constant 0 : index
    %get3A_56 = vector.load %arg8[%get3A_54, %get3A_55] : memref<1x128xf32, #tpu.memory_space<vmem>>, vector<1x128xf32>
    %add3A_57 = vector.broadcast %get3A_56 : vector<1x128xf32> to vector<1024x128xf32>
    %add3A_58 = arith.addf %dot_general3A_53, %add3A_57 : vector<1024x128xf32>
    %swap3A_59 = arith.constant 0 : index
    %swap3A_60 = arith.constant 0 : index
    %swap3A_61 = vector.load %arg11[%swap3A_59, %swap3A_60] : memref<1024x128xf32, #tpu.memory_space<vmem>>, vector<1024x128xf32>
    tpu.vector_store %arg11[%swap3A_59, %swap3A_60], %add3A_58 {strides = array<i32>} : memref<1024x128xf32, #tpu.memory_space<vmem>>, vector<1024x128xf32>,
    return
  }
  func.func @transform_0(%arg0: i32) -> (i32, i32) {
    %c0_i32 = arith.constant 0 : i32
    %c0_i32_0 = arith.constant 0 : i32
    return %arg0, %c0_i32 : i32, i32
  }
  func.func @transform_1(%arg0: i32) -> (i32, i32) {
    %c0_i32 = arith.constant 0 : i32
    %c0_i32_0 = arith.constant 0 : i32
    return %arg0, %c0_i32 : i32, i32
  }
  func.func @transform_2(%arg0: i32) -> (i32, i32) {
    %c0_i32 = arith.constant 0 : i32
    %c0_i32_0 = arith.constant 0 : i32
    %c0_i32_1 = arith.constant 0 : i32
    return %c0_i32, %c0_i32_0 : i32, i32
  }
  func.func @transform_3(%arg0: i32) -> (i32, i32) {
    %c0_i32 = arith.constant 0 : i32
    %c0_i32_0 = arith.constant 0 : i32
    %c0_i32_1 = arith.constant 0 : i32
    return %c0_i32, %c0_i32_0 : i32, i32
  }
  func.func @transform_4(%arg0: i32) -> (i32, i32) {
    %c0_i32 = arith.constant 0 : i32
    %c0_i32_0 = arith.constant 0 : i32
    %c0_i32_1 = arith.constant 0 : i32
    return %c0_i32, %c0_i32_0 : i32, i32
  }
  func.func @transform_5(%arg0: i32) -> (i32, i32) {
    %c0_i32 = arith.constant 0 : i32
    %c0_i32_0 = arith.constant 0 : i32
    %c0_i32_1 = arith.constant 0 : i32
    return %c0_i32, %c0_i32_0 : i32, i32
  }
  func.func @transform_6(%arg0: i32) -> (i32, i32) {
    %c0_i32 = arith.constant 0 : i32
    %c0_i32_0 = arith.constant 0 : i32
    %c0_i32_1 = arith.constant 0 : i32
    return %c0_i32, %c0_i32_0 : i32, i32
  }
  func.func @transform_7(%arg0: i32) -> (i32, i32) {
    %c0_i32 = arith.constant 0 : i32
    %c0_i32_0 = arith.constant 0 : i32
    %c0_i32_1 = arith.constant 0 : i32
    return %c0_i32, %c0_i32_0 : i32, i32
  }
  func.func @transform_8(%arg0: i32) -> (i32, i32) {
    %c0_i32 = arith.constant 0 : i32
    %c0_i32_0 = arith.constant 0 : i32
    return %arg0, %c0_i32 : i32, i32
  }
  func.func @transform_9(%arg0: i32) -> (i32, i32) {
    %c0_i32 = arith.constant 0 : i32
    %c0_i32_0 = arith.constant 0 : i32
    return %arg0, %c0_i32 : i32, i32
  }
  func.func @transform_10(%arg0: i32) -> (i32, i32) {
    %c0_i32 = arith.constant 0 : i32
    %c0_i32_0 = arith.constant 0 : i32
    return %arg0, %c0_i32 : i32, i32
  }
}

module attributes {stable_mosaic.version = 14 : i64} {
  func.func @_edge_body(%arg0: i32, %arg1: memref<512x8x128xf32, #tpu.memory_space<vmem>>, %arg2: memref<512x128xf32, #tpu.memory_space<vmem>>, %arg3: memref<512x128xf32, #tpu.memory_space<vmem>>, %arg4: memref<256x128xf32, #tpu.memory_space<vmem>>, %arg5: memref<256x128xf32, #tpu.memory_space<vmem>>, %arg6: memref<1x128xf32, #tpu.memory_space<vmem>>, %arg7: memref<1x1xf32, #tpu.memory_space<vmem>>, %arg8: memref<512x128xf32, #tpu.memory_space<vmem>>) attributes {dimension_semantics = [#tpu.dimension_semantics<arbitrary>], iteration_bounds = array<i64: 8>, scalar_prefetch = 0 : i64, scratch_operands = 0 : i64, tpu.core_type = #tpu.core_type<tc>, window_params = [{transform_indices = @transform_0, window_bounds = array<i64: 512, 8, 128>}, {transform_indices = @transform_1, window_bounds = array<i64: 512, 128>}, {transform_indices = @transform_2, window_bounds = array<i64: 512, 128>}, {pipeline_mode = #tpu.pipeline_mode<synchronous>, transform_indices = @transform_3, window_bounds = array<i64: 256, 128>}, {pipeline_mode = #tpu.pipeline_mode<synchronous>, transform_indices = @transform_4, window_bounds = array<i64: 256, 128>}, {pipeline_mode = #tpu.pipeline_mode<synchronous>, transform_indices = @transform_5, window_bounds = array<i64: 1, 128>}, {pipeline_mode = #tpu.pipeline_mode<synchronous>, transform_indices = @transform_6, window_bounds = array<i64: 1, 1>}, {transform_indices = @transform_7, window_bounds = array<i64: 512, 128>}]} {
    %get3A = arith.constant 0 : index
    %get3A_0 = arith.constant 0 : index
    %get3A_1 = vector.load %arg2[%get3A, %get3A_0] : memref<512x128xf32, #tpu.memory_space<vmem>>, vector<512x128xf32>
    %get3A_2 = arith.constant 0 : index
    %get3A_3 = arith.constant 0 : index
    %get3A_4 = vector.load %arg3[%get3A_2, %get3A_3] : memref<512x128xf32, #tpu.memory_space<vmem>>, vector<512x128xf32>
    %get3A_5 = arith.constant 128 : index
    %get3A_6 = arith.constant 0 : index
    %get3A_7 = vector.load %arg4[%get3A_5, %get3A_6] : memref<256x128xf32, #tpu.memory_space<vmem>>, vector<128x128xf32>
    %get3A_8 = arith.constant 128 : index
    %get3A_9 = arith.constant 0 : index
    %get3A_10 = vector.load %arg5[%get3A_8, %get3A_9] : memref<256x128xf32, #tpu.memory_space<vmem>>, vector<128x128xf32>
    %get3A_11 = arith.constant 0 : index
    %get3A_12 = arith.constant 0 : index
    %get3A_13 = vector.load %arg6[%get3A_11, %get3A_12] : memref<1x128xf32, #tpu.memory_space<vmem>>, vector<1x128xf32>
    %get3A_14 = arith.constant 0 : index
    %get3A_15 = arith.constant 0 : index
    %get3A_16 = vector.load %arg7[%get3A_14, %get3A_15] : memref<1x1xf32, #tpu.memory_space<vmem>>, vector<1x1xf32>
    %get3A_17 = vector.extract %get3A_16[0, 0] : f32 from vector<1x1xf32>
    %get3A_18 = arith.constant 0 : index
    %get3A_19 = arith.constant 0 : index
    %get3A_20 = arith.constant 0 : index
    %get3A_21 = vector.load %arg1[%get3A_18, %get3A_19, %get3A_20] : memref<512x8x128xf32, #tpu.memory_space<vmem>>, vector<512x1x128xf32>
    %get3A_22 = vector.shape_cast %get3A_21 : vector<512x1x128xf32> to vector<512x128xf32>
    %dot_general3A = arith.constant dense<0.000000e+00> : vector<512x128xf32>
    %dot_general3A_23 = tpu.matmul %get3A_22, %get3A_7, %dot_general3A {dimension_numbers = #tpu.dot_dimension_numbers<[1], [0], [0], [1], [0, 0, 1, 1], [], []>, transpose_lhs_hint = false} : vector<512x128xf32>, vector<128x128xf32>, vector<512x128xf32> -> vector<512x128xf32>
    %add3A = arith.addf %get3A_1, %dot_general3A_23 : vector<512x128xf32>
    %ge3A = arith.constant 0.000000e+00 : f32
    %ge3A_24 = vector.broadcast %ge3A : f32 to vector<512x128xf32>
    %ge3A_25 = arith.cmpf oge, %add3A, %ge3A_24 : vector<512x128xf32>
    %mul3A = arith.constant 2.000000e-01 : f32
    %mul3A_26 = vector.broadcast %mul3A : f32 to vector<512x128xf32>
    %mul3A_27 = arith.mulf %mul3A_26, %add3A : vector<512x128xf32>
    %select_n3A = arith.select %ge3A_25, %add3A, %mul3A_27 : vector<512x128xi1>, vector<512x128xf32>
    %mul3A_28 = vector.broadcast %get3A_13 : vector<1x128xf32> to vector<512x128xf32>
    %mul3A_29 = arith.mulf %select_n3A, %mul3A_28 : vector<512x128xf32>
    %reduce_sum3A = arith.constant dense<0.000000e+00> : vector<512xf32>
    %reduce_sum3A_30 = vector.multi_reduction <add>, %mul3A_29, %reduce_sum3A [1] : vector<512x128xf32> to vector<512xf32>
    %broadcast_in_dim3A = vector.shape_cast %reduce_sum3A_30 : vector<512xf32> to vector<512x1xf32>
    %add3A_31 = vector.broadcast %get3A_17 : f32 to vector<512x1xf32>
    %add3A_32 = arith.addf %broadcast_in_dim3A, %add3A_31 : vector<512x1xf32>
    %get3A_33 = arith.constant 0 : index
    %get3A_34 = arith.constant 1 : index
    %get3A_35 = arith.constant 0 : index
    %get3A_36 = vector.load %arg1[%get3A_33, %get3A_34, %get3A_35] : memref<512x8x128xf32, #tpu.memory_space<vmem>>, vector<512x1x128xf32>
    %get3A_37 = vector.shape_cast %get3A_36 : vector<512x1x128xf32> to vector<512x128xf32>
    %dot_general3A_38 = arith.constant dense<0.000000e+00> : vector<512x128xf32>
    %dot_general3A_39 = tpu.matmul %get3A_37, %get3A_7, %dot_general3A_38 {dimension_numbers = #tpu.dot_dimension_numbers<[1], [0], [0], [1], [0, 0, 1, 1], [], []>, transpose_lhs_hint = false} : vector<512x128xf32>, vector<128x128xf32>, vector<512x128xf32> -> vector<512x128xf32>
    %add3A_40 = arith.addf %get3A_1, %dot_general3A_39 : vector<512x128xf32>
    %ge3A_41 = arith.constant 0.000000e+00 : f32
    %ge3A_42 = vector.broadcast %ge3A_41 : f32 to vector<512x128xf32>
    %ge3A_43 = arith.cmpf oge, %add3A_40, %ge3A_42 : vector<512x128xf32>
    %mul3A_44 = arith.constant 2.000000e-01 : f32
    %mul3A_45 = vector.broadcast %mul3A_44 : f32 to vector<512x128xf32>
    %mul3A_46 = arith.mulf %mul3A_45, %add3A_40 : vector<512x128xf32>
    %select_n3A_47 = arith.select %ge3A_43, %add3A_40, %mul3A_46 : vector<512x128xi1>, vector<512x128xf32>
    %mul3A_48 = vector.broadcast %get3A_13 : vector<1x128xf32> to vector<512x128xf32>
    %mul3A_49 = arith.mulf %select_n3A_47, %mul3A_48 : vector<512x128xf32>
    %reduce_sum3A_50 = arith.constant dense<0.000000e+00> : vector<512xf32>
    %reduce_sum3A_51 = vector.multi_reduction <add>, %mul3A_49, %reduce_sum3A_50 [1] : vector<512x128xf32> to vector<512xf32>
    %broadcast_in_dim3A_52 = vector.shape_cast %reduce_sum3A_51 : vector<512xf32> to vector<512x1xf32>
    %add3A_53 = vector.broadcast %get3A_17 : f32 to vector<512x1xf32>
    %add3A_54 = arith.addf %broadcast_in_dim3A_52, %add3A_53 : vector<512x1xf32>
    %get3A_55 = arith.constant 0 : index
    %get3A_56 = arith.constant 2 : index
    %get3A_57 = arith.constant 0 : index
    %get3A_58 = vector.load %arg1[%get3A_55, %get3A_56, %get3A_57] : memref<512x8x128xf32, #tpu.memory_space<vmem>>, vector<512x1x128xf32>
    %get3A_59 = vector.shape_cast %get3A_58 : vector<512x1x128xf32> to vector<512x128xf32>
    %dot_general3A_60 = arith.constant dense<0.000000e+00> : vector<512x128xf32>
    %dot_general3A_61 = tpu.matmul %get3A_59, %get3A_7, %dot_general3A_60 {dimension_numbers = #tpu.dot_dimension_numbers<[1], [0], [0], [1], [0, 0, 1, 1], [], []>, transpose_lhs_hint = false} : vector<512x128xf32>, vector<128x128xf32>, vector<512x128xf32> -> vector<512x128xf32>
    %add3A_62 = arith.addf %get3A_1, %dot_general3A_61 : vector<512x128xf32>
    %ge3A_63 = arith.constant 0.000000e+00 : f32
    %ge3A_64 = vector.broadcast %ge3A_63 : f32 to vector<512x128xf32>
    %ge3A_65 = arith.cmpf oge, %add3A_62, %ge3A_64 : vector<512x128xf32>
    %mul3A_66 = arith.constant 2.000000e-01 : f32
    %mul3A_67 = vector.broadcast %mul3A_66 : f32 to vector<512x128xf32>
    %mul3A_68 = arith.mulf %mul3A_67, %add3A_62 : vector<512x128xf32>
    %select_n3A_69 = arith.select %ge3A_65, %add3A_62, %mul3A_68 : vector<512x128xi1>, vector<512x128xf32>
    %mul3A_70 = vector.broadcast %get3A_13 : vector<1x128xf32> to vector<512x128xf32>
    %mul3A_71 = arith.mulf %select_n3A_69, %mul3A_70 : vector<512x128xf32>
    %reduce_sum3A_72 = arith.constant dense<0.000000e+00> : vector<512xf32>
    %reduce_sum3A_73 = vector.multi_reduction <add>, %mul3A_71, %reduce_sum3A_72 [1] : vector<512x128xf32> to vector<512xf32>
    %broadcast_in_dim3A_74 = vector.shape_cast %reduce_sum3A_73 : vector<512xf32> to vector<512x1xf32>
    %add3A_75 = vector.broadcast %get3A_17 : f32 to vector<512x1xf32>
    %add3A_76 = arith.addf %broadcast_in_dim3A_74, %add3A_75 : vector<512x1xf32>
    %get3A_77 = arith.constant 0 : index
    %get3A_78 = arith.constant 3 : index
    %get3A_79 = arith.constant 0 : index
    %get3A_80 = vector.load %arg1[%get3A_77, %get3A_78, %get3A_79] : memref<512x8x128xf32, #tpu.memory_space<vmem>>, vector<512x1x128xf32>
    %get3A_81 = vector.shape_cast %get3A_80 : vector<512x1x128xf32> to vector<512x128xf32>
    %dot_general3A_82 = arith.constant dense<0.000000e+00> : vector<512x128xf32>
    %dot_general3A_83 = tpu.matmul %get3A_81, %get3A_7, %dot_general3A_82 {dimension_numbers = #tpu.dot_dimension_numbers<[1], [0], [0], [1], [0, 0, 1, 1], [], []>, transpose_lhs_hint = false} : vector<512x128xf32>, vector<128x128xf32>, vector<512x128xf32> -> vector<512x128xf32>
    %add3A_84 = arith.addf %get3A_1, %dot_general3A_83 : vector<512x128xf32>
    %ge3A_85 = arith.constant 0.000000e+00 : f32
    %ge3A_86 = vector.broadcast %ge3A_85 : f32 to vector<512x128xf32>
    %ge3A_87 = arith.cmpf oge, %add3A_84, %ge3A_86 : vector<512x128xf32>
    %mul3A_88 = arith.constant 2.000000e-01 : f32
    %mul3A_89 = vector.broadcast %mul3A_88 : f32 to vector<512x128xf32>
    %mul3A_90 = arith.mulf %mul3A_89, %add3A_84 : vector<512x128xf32>
    %select_n3A_91 = arith.select %ge3A_87, %add3A_84, %mul3A_90 : vector<512x128xi1>, vector<512x128xf32>
    %mul3A_92 = vector.broadcast %get3A_13 : vector<1x128xf32> to vector<512x128xf32>
    %mul3A_93 = arith.mulf %select_n3A_91, %mul3A_92 : vector<512x128xf32>
    %reduce_sum3A_94 = arith.constant dense<0.000000e+00> : vector<512xf32>
    %reduce_sum3A_95 = vector.multi_reduction <add>, %mul3A_93, %reduce_sum3A_94 [1] : vector<512x128xf32> to vector<512xf32>
    %broadcast_in_dim3A_96 = vector.shape_cast %reduce_sum3A_95 : vector<512xf32> to vector<512x1xf32>
    %add3A_97 = vector.broadcast %get3A_17 : f32 to vector<512x1xf32>
    %add3A_98 = arith.addf %broadcast_in_dim3A_96, %add3A_97 : vector<512x1xf32>
    %get3A_99 = arith.constant 0 : index
    %get3A_100 = arith.constant 4 : index
    %get3A_101 = arith.constant 0 : index
    %get3A_102 = vector.load %arg1[%get3A_99, %get3A_100, %get3A_101] : memref<512x8x128xf32, #tpu.memory_space<vmem>>, vector<512x1x128xf32>
    %get3A_103 = vector.shape_cast %get3A_102 : vector<512x1x128xf32> to vector<512x128xf32>
    %dot_general3A_104 = arith.constant dense<0.000000e+00> : vector<512x128xf32>
    %dot_general3A_105 = tpu.matmul %get3A_103, %get3A_7, %dot_general3A_104 {dimension_numbers = #tpu.dot_dimension_numbers<[1], [0], [0], [1], [0, 0, 1, 1], [], []>, transpose_lhs_hint = false} : vector<512x128xf32>, vector<128x128xf32>, vector<512x128xf32> -> vector<512x128xf32>
    %add3A_106 = arith.addf %get3A_1, %dot_general3A_105 : vector<512x128xf32>
    %ge3A_107 = arith.constant 0.000000e+00 : f32
    %ge3A_108 = vector.broadcast %ge3A_107 : f32 to vector<512x128xf32>
    %ge3A_109 = arith.cmpf oge, %add3A_106, %ge3A_108 : vector<512x128xf32>
    %mul3A_110 = arith.constant 2.000000e-01 : f32
    %mul3A_111 = vector.broadcast %mul3A_110 : f32 to vector<512x128xf32>
    %mul3A_112 = arith.mulf %mul3A_111, %add3A_106 : vector<512x128xf32>
    %select_n3A_113 = arith.select %ge3A_109, %add3A_106, %mul3A_112 : vector<512x128xi1>, vector<512x128xf32>
    %mul3A_114 = vector.broadcast %get3A_13 : vector<1x128xf32> to vector<512x128xf32>
    %mul3A_115 = arith.mulf %select_n3A_113, %mul3A_114 : vector<512x128xf32>
    %reduce_sum3A_116 = arith.constant dense<0.000000e+00> : vector<512xf32>
    %reduce_sum3A_117 = vector.multi_reduction <add>, %mul3A_115, %reduce_sum3A_116 [1] : vector<512x128xf32> to vector<512xf32>
    %broadcast_in_dim3A_118 = vector.shape_cast %reduce_sum3A_117 : vector<512xf32> to vector<512x1xf32>
    %add3A_119 = vector.broadcast %get3A_17 : f32 to vector<512x1xf32>
    %add3A_120 = arith.addf %broadcast_in_dim3A_118, %add3A_119 : vector<512x1xf32>
    %get3A_121 = arith.constant 0 : index
    %get3A_122 = arith.constant 5 : index
    %get3A_123 = arith.constant 0 : index
    %get3A_124 = vector.load %arg1[%get3A_121, %get3A_122, %get3A_123] : memref<512x8x128xf32, #tpu.memory_space<vmem>>, vector<512x1x128xf32>
    %get3A_125 = vector.shape_cast %get3A_124 : vector<512x1x128xf32> to vector<512x128xf32>
    %dot_general3A_126 = arith.constant dense<0.000000e+00> : vector<512x128xf32>
    %dot_general3A_127 = tpu.matmul %get3A_125, %get3A_7, %dot_general3A_126 {dimension_numbers = #tpu.dot_dimension_numbers<[1], [0], [0], [1], [0, 0, 1, 1], [], []>, transpose_lhs_hint = false} : vector<512x128xf32>, vector<128x128xf32>, vector<512x128xf32> -> vector<512x128xf32>
    %add3A_128 = arith.addf %get3A_1, %dot_general3A_127 : vector<512x128xf32>
    %ge3A_129 = arith.constant 0.000000e+00 : f32
    %ge3A_130 = vector.broadcast %ge3A_129 : f32 to vector<512x128xf32>
    %ge3A_131 = arith.cmpf oge, %add3A_128, %ge3A_130 : vector<512x128xf32>
    %mul3A_132 = arith.constant 2.000000e-01 : f32
    %mul3A_133 = vector.broadcast %mul3A_132 : f32 to vector<512x128xf32>
    %mul3A_134 = arith.mulf %mul3A_133, %add3A_128 : vector<512x128xf32>
    %select_n3A_135 = arith.select %ge3A_131, %add3A_128, %mul3A_134 : vector<512x128xi1>, vector<512x128xf32>
    %mul3A_136 = vector.broadcast %get3A_13 : vector<1x128xf32> to vector<512x128xf32>
    %mul3A_137 = arith.mulf %select_n3A_135, %mul3A_136 : vector<512x128xf32>
    %reduce_sum3A_138 = arith.constant dense<0.000000e+00> : vector<512xf32>
    %reduce_sum3A_139 = vector.multi_reduction <add>, %mul3A_137, %reduce_sum3A_138 [1] : vector<512x128xf32> to vector<512xf32>
    %broadcast_in_dim3A_140 = vector.shape_cast %reduce_sum3A_139 : vector<512xf32> to vector<512x1xf32>
    %add3A_141 = vector.broadcast %get3A_17 : f32 to vector<512x1xf32>
    %add3A_142 = arith.addf %broadcast_in_dim3A_140, %add3A_141 : vector<512x1xf32>
    %get3A_143 = arith.constant 0 : index
    %get3A_144 = arith.constant 6 : index
    %get3A_145 = arith.constant 0 : index
    %get3A_146 = vector.load %arg1[%get3A_143, %get3A_144, %get3A_145] : memref<512x8x128xf32, #tpu.memory_space<vmem>>, vector<512x1x128xf32>
    %get3A_147 = vector.shape_cast %get3A_146 : vector<512x1x128xf32> to vector<512x128xf32>
    %dot_general3A_148 = arith.constant dense<0.000000e+00> : vector<512x128xf32>
    %dot_general3A_149 = tpu.matmul %get3A_147, %get3A_7, %dot_general3A_148 {dimension_numbers = #tpu.dot_dimension_numbers<[1], [0], [0], [1], [0, 0, 1, 1], [], []>, transpose_lhs_hint = false} : vector<512x128xf32>, vector<128x128xf32>, vector<512x128xf32> -> vector<512x128xf32>
    %add3A_150 = arith.addf %get3A_1, %dot_general3A_149 : vector<512x128xf32>
    %ge3A_151 = arith.constant 0.000000e+00 : f32
    %ge3A_152 = vector.broadcast %ge3A_151 : f32 to vector<512x128xf32>
    %ge3A_153 = arith.cmpf oge, %add3A_150, %ge3A_152 : vector<512x128xf32>
    %mul3A_154 = arith.constant 2.000000e-01 : f32
    %mul3A_155 = vector.broadcast %mul3A_154 : f32 to vector<512x128xf32>
    %mul3A_156 = arith.mulf %mul3A_155, %add3A_150 : vector<512x128xf32>
    %select_n3A_157 = arith.select %ge3A_153, %add3A_150, %mul3A_156 : vector<512x128xi1>, vector<512x128xf32>
    %mul3A_158 = vector.broadcast %get3A_13 : vector<1x128xf32> to vector<512x128xf32>
    %mul3A_159 = arith.mulf %select_n3A_157, %mul3A_158 : vector<512x128xf32>
    %reduce_sum3A_160 = arith.constant dense<0.000000e+00> : vector<512xf32>
    %reduce_sum3A_161 = vector.multi_reduction <add>, %mul3A_159, %reduce_sum3A_160 [1] : vector<512x128xf32> to vector<512xf32>
    %broadcast_in_dim3A_162 = vector.shape_cast %reduce_sum3A_161 : vector<512xf32> to vector<512x1xf32>
    %add3A_163 = vector.broadcast %get3A_17 : f32 to vector<512x1xf32>
    %add3A_164 = arith.addf %broadcast_in_dim3A_162, %add3A_163 : vector<512x1xf32>
    %get3A_165 = arith.constant 0 : index
    %get3A_166 = arith.constant 7 : index
    %get3A_167 = arith.constant 0 : index
    %get3A_168 = vector.load %arg1[%get3A_165, %get3A_166, %get3A_167] : memref<512x8x128xf32, #tpu.memory_space<vmem>>, vector<512x1x128xf32>
    %get3A_169 = vector.shape_cast %get3A_168 : vector<512x1x128xf32> to vector<512x128xf32>
    %dot_general3A_170 = arith.constant dense<0.000000e+00> : vector<512x128xf32>
    %dot_general3A_171 = tpu.matmul %get3A_169, %get3A_7, %dot_general3A_170 {dimension_numbers = #tpu.dot_dimension_numbers<[1], [0], [0], [1], [0, 0, 1, 1], [], []>, transpose_lhs_hint = false} : vector<512x128xf32>, vector<128x128xf32>, vector<512x128xf32> -> vector<512x128xf32>
    %add3A_172 = arith.addf %get3A_1, %dot_general3A_171 : vector<512x128xf32>
    %ge3A_173 = arith.constant 0.000000e+00 : f32
    %ge3A_174 = vector.broadcast %ge3A_173 : f32 to vector<512x128xf32>
    %ge3A_175 = arith.cmpf oge, %add3A_172, %ge3A_174 : vector<512x128xf32>
    %mul3A_176 = arith.constant 2.000000e-01 : f32
    %mul3A_177 = vector.broadcast %mul3A_176 : f32 to vector<512x128xf32>
    %mul3A_178 = arith.mulf %mul3A_177, %add3A_172 : vector<512x128xf32>
    %select_n3A_179 = arith.select %ge3A_175, %add3A_172, %mul3A_178 : vector<512x128xi1>, vector<512x128xf32>
    %mul3A_180 = vector.broadcast %get3A_13 : vector<1x128xf32> to vector<512x128xf32>
    %mul3A_181 = arith.mulf %select_n3A_179, %mul3A_180 : vector<512x128xf32>
    %reduce_sum3A_182 = arith.constant dense<0.000000e+00> : vector<512xf32>
    %reduce_sum3A_183 = vector.multi_reduction <add>, %mul3A_181, %reduce_sum3A_182 [1] : vector<512x128xf32> to vector<512xf32>
    %broadcast_in_dim3A_184 = vector.shape_cast %reduce_sum3A_183 : vector<512xf32> to vector<512x1xf32>
    %add3A_185 = vector.broadcast %get3A_17 : f32 to vector<512x1xf32>
    %add3A_186 = arith.addf %broadcast_in_dim3A_184, %add3A_185 : vector<512x1xf32>
    %max3A = arith.maximumf %add3A_32, %add3A_54 : vector<512x1xf32>
    %max3A_187 = arith.maximumf %max3A, %add3A_76 : vector<512x1xf32>
    %max3A_188 = arith.maximumf %max3A_187, %add3A_98 : vector<512x1xf32>
    %max3A_189 = arith.maximumf %max3A_188, %add3A_120 : vector<512x1xf32>
    %max3A_190 = arith.maximumf %max3A_189, %add3A_142 : vector<512x1xf32>
    %max3A_191 = arith.maximumf %max3A_190, %add3A_164 : vector<512x1xf32>
    %max3A_192 = arith.maximumf %max3A_191, %add3A_186 : vector<512x1xf32>
    %sub3A = arith.subf %add3A_32, %max3A_192 : vector<512x1xf32>
    %exp3A = math.exp %sub3A : vector<512x1xf32>
    %sub3A_193 = arith.subf %add3A_54, %max3A_192 : vector<512x1xf32>
    %exp3A_194 = math.exp %sub3A_193 : vector<512x1xf32>
    %sub3A_195 = arith.subf %add3A_76, %max3A_192 : vector<512x1xf32>
    %exp3A_196 = math.exp %sub3A_195 : vector<512x1xf32>
    %sub3A_197 = arith.subf %add3A_98, %max3A_192 : vector<512x1xf32>
    %exp3A_198 = math.exp %sub3A_197 : vector<512x1xf32>
    %sub3A_199 = arith.subf %add3A_120, %max3A_192 : vector<512x1xf32>
    %exp3A_200 = math.exp %sub3A_199 : vector<512x1xf32>
    %sub3A_201 = arith.subf %add3A_142, %max3A_192 : vector<512x1xf32>
    %exp3A_202 = math.exp %sub3A_201 : vector<512x1xf32>
    %sub3A_203 = arith.subf %add3A_164, %max3A_192 : vector<512x1xf32>
    %exp3A_204 = math.exp %sub3A_203 : vector<512x1xf32>
    %sub3A_205 = arith.subf %add3A_186, %max3A_192 : vector<512x1xf32>
    %exp3A_206 = math.exp %sub3A_205 : vector<512x1xf32>
    %add3A_207 = arith.addf %exp3A, %exp3A_194 : vector<512x1xf32>
    %add3A_208 = arith.addf %add3A_207, %exp3A_196 : vector<512x1xf32>
    %add3A_209 = arith.addf %add3A_208, %exp3A_198 : vector<512x1xf32>
    %add3A_210 = arith.addf %add3A_209, %exp3A_200 : vector<512x1xf32>
    %add3A_211 = arith.addf %add3A_210, %exp3A_202 : vector<512x1xf32>
    %add3A_212 = arith.addf %add3A_211, %exp3A_204 : vector<512x1xf32>
    %add3A_213 = arith.addf %add3A_212, %exp3A_206 : vector<512x1xf32>
    %broadcast_in_dim3A_214 = arith.constant 0.000000e+00 : f32
    %broadcast_in_dim3A_215 = vector.broadcast %broadcast_in_dim3A_214 : f32 to vector<512x128xf32>
    %get3A_216 = arith.constant 0 : index
    %get3A_217 = arith.constant 0 : index
    %get3A_218 = arith.constant 0 : index
    %get3A_219 = vector.load %arg1[%get3A_216, %get3A_217, %get3A_218] : memref<512x8x128xf32, #tpu.memory_space<vmem>>, vector<512x1x128xf32>
    %get3A_220 = vector.shape_cast %get3A_219 : vector<512x1x128xf32> to vector<512x128xf32>
    %dot_general3A_221 = arith.constant dense<0.000000e+00> : vector<512x128xf32>
    %dot_general3A_222 = tpu.matmul %get3A_220, %get3A_10, %dot_general3A_221 {dimension_numbers = #tpu.dot_dimension_numbers<[1], [0], [0], [1], [0, 0, 1, 1], [], []>, transpose_lhs_hint = false} : vector<512x128xf32>, vector<128x128xf32>, vector<512x128xf32> -> vector<512x128xf32>
    %add3A_223 = arith.addf %get3A_4, %dot_general3A_222 : vector<512x128xf32>
    %ge3A_224 = arith.constant 0.000000e+00 : f32
    %ge3A_225 = vector.broadcast %ge3A_224 : f32 to vector<512x128xf32>
    %ge3A_226 = arith.cmpf oge, %add3A_223, %ge3A_225 : vector<512x128xf32>
    %mul3A_227 = arith.constant 2.000000e-01 : f32
    %mul3A_228 = vector.broadcast %mul3A_227 : f32 to vector<512x128xf32>
    %mul3A_229 = arith.mulf %mul3A_228, %add3A_223 : vector<512x128xf32>
    %select_n3A_230 = arith.select %ge3A_226, %add3A_223, %mul3A_229 : vector<512x128xi1>, vector<512x128xf32>
    %div3A = arith.divf %exp3A, %add3A_213 : vector<512x1xf32>
    %mul3A_231 = vector.broadcast %div3A : vector<512x1xf32> to vector<512x128xf32>
    %mul3A_232 = arith.mulf %mul3A_231, %select_n3A_230 : vector<512x128xf32>
    %add3A_233 = arith.addf %broadcast_in_dim3A_215, %mul3A_232 : vector<512x128xf32>
    %get3A_234 = arith.constant 0 : index
    %get3A_235 = arith.constant 1 : index
    %get3A_236 = arith.constant 0 : index
    %get3A_237 = vector.load %arg1[%get3A_234, %get3A_235, %get3A_236] : memref<512x8x128xf32, #tpu.memory_space<vmem>>, vector<512x1x128xf32>
    %get3A_238 = vector.shape_cast %get3A_237 : vector<512x1x128xf32> to vector<512x128xf32>
    %dot_general3A_239 = arith.constant dense<0.000000e+00> : vector<512x128xf32>
    %dot_general3A_240 = tpu.matmul %get3A_238, %get3A_10, %dot_general3A_239 {dimension_numbers = #tpu.dot_dimension_numbers<[1], [0], [0], [1], [0, 0, 1, 1], [], []>, transpose_lhs_hint = false} : vector<512x128xf32>, vector<128x128xf32>, vector<512x128xf32> -> vector<512x128xf32>
    %add3A_241 = arith.addf %get3A_4, %dot_general3A_240 : vector<512x128xf32>
    %ge3A_242 = arith.constant 0.000000e+00 : f32
    %ge3A_243 = vector.broadcast %ge3A_242 : f32 to vector<512x128xf32>
    %ge3A_244 = arith.cmpf oge, %add3A_241, %ge3A_243 : vector<512x128xf32>
    %mul3A_245 = arith.constant 2.000000e-01 : f32
    %mul3A_246 = vector.broadcast %mul3A_245 : f32 to vector<512x128xf32>
    %mul3A_247 = arith.mulf %mul3A_246, %add3A_241 : vector<512x128xf32>
    %select_n3A_248 = arith.select %ge3A_244, %add3A_241, %mul3A_247 : vector<512x128xi1>, vector<512x128xf32>
    %div3A_249 = arith.divf %exp3A_194, %add3A_213 : vector<512x1xf32>
    %mul3A_250 = vector.broadcast %div3A_249 : vector<512x1xf32> to vector<512x128xf32>
    %mul3A_251 = arith.mulf %mul3A_250, %select_n3A_248 : vector<512x128xf32>
    %add3A_252 = arith.addf %add3A_233, %mul3A_251 : vector<512x128xf32>
    %get3A_253 = arith.constant 0 : index
    %get3A_254 = arith.constant 2 : index
    %get3A_255 = arith.constant 0 : index
    %get3A_256 = vector.load %arg1[%get3A_253, %get3A_254, %get3A_255] : memref<512x8x128xf32, #tpu.memory_space<vmem>>, vector<512x1x128xf32>
    %get3A_257 = vector.shape_cast %get3A_256 : vector<512x1x128xf32> to vector<512x128xf32>
    %dot_general3A_258 = arith.constant dense<0.000000e+00> : vector<512x128xf32>
    %dot_general3A_259 = tpu.matmul %get3A_257, %get3A_10, %dot_general3A_258 {dimension_numbers = #tpu.dot_dimension_numbers<[1], [0], [0], [1], [0, 0, 1, 1], [], []>, transpose_lhs_hint = false} : vector<512x128xf32>, vector<128x128xf32>, vector<512x128xf32> -> vector<512x128xf32>
    %add3A_260 = arith.addf %get3A_4, %dot_general3A_259 : vector<512x128xf32>
    %ge3A_261 = arith.constant 0.000000e+00 : f32
    %ge3A_262 = vector.broadcast %ge3A_261 : f32 to vector<512x128xf32>
    %ge3A_263 = arith.cmpf oge, %add3A_260, %ge3A_262 : vector<512x128xf32>
    %mul3A_264 = arith.constant 2.000000e-01 : f32
    %mul3A_265 = vector.broadcast %mul3A_264 : f32 to vector<512x128xf32>
    %mul3A_266 = arith.mulf %mul3A_265, %add3A_260 : vector<512x128xf32>
    %select_n3A_267 = arith.select %ge3A_263, %add3A_260, %mul3A_266 : vector<512x128xi1>, vector<512x128xf32>
    %div3A_268 = arith.divf %exp3A_196, %add3A_213 : vector<512x1xf32>
    %mul3A_269 = vector.broadcast %div3A_268 : vector<512x1xf32> to vector<512x128xf32>
    %mul3A_270 = arith.mulf %mul3A_269, %select_n3A_267 : vector<512x128xf32>
    %add3A_271 = arith.addf %add3A_252, %mul3A_270 : vector<512x128xf32>
    %get3A_272 = arith.constant 0 : index
    %get3A_273 = arith.constant 3 : index
    %get3A_274 = arith.constant 0 : index
    %get3A_275 = vector.load %arg1[%get3A_272, %get3A_273, %get3A_274] : memref<512x8x128xf32, #tpu.memory_space<vmem>>, vector<512x1x128xf32>
    %get3A_276 = vector.shape_cast %get3A_275 : vector<512x1x128xf32> to vector<512x128xf32>
    %dot_general3A_277 = arith.constant dense<0.000000e+00> : vector<512x128xf32>
    %dot_general3A_278 = tpu.matmul %get3A_276, %get3A_10, %dot_general3A_277 {dimension_numbers = #tpu.dot_dimension_numbers<[1], [0], [0], [1], [0, 0, 1, 1], [], []>, transpose_lhs_hint = false} : vector<512x128xf32>, vector<128x128xf32>, vector<512x128xf32> -> vector<512x128xf32>
    %add3A_279 = arith.addf %get3A_4, %dot_general3A_278 : vector<512x128xf32>
    %ge3A_280 = arith.constant 0.000000e+00 : f32
    %ge3A_281 = vector.broadcast %ge3A_280 : f32 to vector<512x128xf32>
    %ge3A_282 = arith.cmpf oge, %add3A_279, %ge3A_281 : vector<512x128xf32>
    %mul3A_283 = arith.constant 2.000000e-01 : f32
    %mul3A_284 = vector.broadcast %mul3A_283 : f32 to vector<512x128xf32>
    %mul3A_285 = arith.mulf %mul3A_284, %add3A_279 : vector<512x128xf32>
    %select_n3A_286 = arith.select %ge3A_282, %add3A_279, %mul3A_285 : vector<512x128xi1>, vector<512x128xf32>
    %div3A_287 = arith.divf %exp3A_198, %add3A_213 : vector<512x1xf32>
    %mul3A_288 = vector.broadcast %div3A_287 : vector<512x1xf32> to vector<512x128xf32>
    %mul3A_289 = arith.mulf %mul3A_288, %select_n3A_286 : vector<512x128xf32>
    %add3A_290 = arith.addf %add3A_271, %mul3A_289 : vector<512x128xf32>
    %get3A_291 = arith.constant 0 : index
    %get3A_292 = arith.constant 4 : index
    %get3A_293 = arith.constant 0 : index
    %get3A_294 = vector.load %arg1[%get3A_291, %get3A_292, %get3A_293] : memref<512x8x128xf32, #tpu.memory_space<vmem>>, vector<512x1x128xf32>
    %get3A_295 = vector.shape_cast %get3A_294 : vector<512x1x128xf32> to vector<512x128xf32>
    %dot_general3A_296 = arith.constant dense<0.000000e+00> : vector<512x128xf32>
    %dot_general3A_297 = tpu.matmul %get3A_295, %get3A_10, %dot_general3A_296 {dimension_numbers = #tpu.dot_dimension_numbers<[1], [0], [0], [1], [0, 0, 1, 1], [], []>, transpose_lhs_hint = false} : vector<512x128xf32>, vector<128x128xf32>, vector<512x128xf32> -> vector<512x128xf32>
    %add3A_298 = arith.addf %get3A_4, %dot_general3A_297 : vector<512x128xf32>
    %ge3A_299 = arith.constant 0.000000e+00 : f32
    %ge3A_300 = vector.broadcast %ge3A_299 : f32 to vector<512x128xf32>
    %ge3A_301 = arith.cmpf oge, %add3A_298, %ge3A_300 : vector<512x128xf32>
    %mul3A_302 = arith.constant 2.000000e-01 : f32
    %mul3A_303 = vector.broadcast %mul3A_302 : f32 to vector<512x128xf32>
    %mul3A_304 = arith.mulf %mul3A_303, %add3A_298 : vector<512x128xf32>
    %select_n3A_305 = arith.select %ge3A_301, %add3A_298, %mul3A_304 : vector<512x128xi1>, vector<512x128xf32>
    %div3A_306 = arith.divf %exp3A_200, %add3A_213 : vector<512x1xf32>
    %mul3A_307 = vector.broadcast %div3A_306 : vector<512x1xf32> to vector<512x128xf32>
    %mul3A_308 = arith.mulf %mul3A_307, %select_n3A_305 : vector<512x128xf32>
    %add3A_309 = arith.addf %add3A_290, %mul3A_308 : vector<512x128xf32>
    %get3A_310 = arith.constant 0 : index
    %get3A_311 = arith.constant 5 : index
    %get3A_312 = arith.constant 0 : index
    %get3A_313 = vector.load %arg1[%get3A_310, %get3A_311, %get3A_312] : memref<512x8x128xf32, #tpu.memory_space<vmem>>, vector<512x1x128xf32>
    %get3A_314 = vector.shape_cast %get3A_313 : vector<512x1x128xf32> to vector<512x128xf32>
    %dot_general3A_315 = arith.constant dense<0.000000e+00> : vector<512x128xf32>
    %dot_general3A_316 = tpu.matmul %get3A_314, %get3A_10, %dot_general3A_315 {dimension_numbers = #tpu.dot_dimension_numbers<[1], [0], [0], [1], [0, 0, 1, 1], [], []>, transpose_lhs_hint = false} : vector<512x128xf32>, vector<128x128xf32>, vector<512x128xf32> -> vector<512x128xf32>
    %add3A_317 = arith.addf %get3A_4, %dot_general3A_316 : vector<512x128xf32>
    %ge3A_318 = arith.constant 0.000000e+00 : f32
    %ge3A_319 = vector.broadcast %ge3A_318 : f32 to vector<512x128xf32>
    %ge3A_320 = arith.cmpf oge, %add3A_317, %ge3A_319 : vector<512x128xf32>
    %mul3A_321 = arith.constant 2.000000e-01 : f32
    %mul3A_322 = vector.broadcast %mul3A_321 : f32 to vector<512x128xf32>
    %mul3A_323 = arith.mulf %mul3A_322, %add3A_317 : vector<512x128xf32>
    %select_n3A_324 = arith.select %ge3A_320, %add3A_317, %mul3A_323 : vector<512x128xi1>, vector<512x128xf32>
    %div3A_325 = arith.divf %exp3A_202, %add3A_213 : vector<512x1xf32>
    %mul3A_326 = vector.broadcast %div3A_325 : vector<512x1xf32> to vector<512x128xf32>
    %mul3A_327 = arith.mulf %mul3A_326, %select_n3A_324 : vector<512x128xf32>
    %add3A_328 = arith.addf %add3A_309, %mul3A_327 : vector<512x128xf32>
    %get3A_329 = arith.constant 0 : index
    %get3A_330 = arith.constant 6 : index
    %get3A_331 = arith.constant 0 : index
    %get3A_332 = vector.load %arg1[%get3A_329, %get3A_330, %get3A_331] : memref<512x8x128xf32, #tpu.memory_space<vmem>>, vector<512x1x128xf32>
    %get3A_333 = vector.shape_cast %get3A_332 : vector<512x1x128xf32> to vector<512x128xf32>
    %dot_general3A_334 = arith.constant dense<0.000000e+00> : vector<512x128xf32>
    %dot_general3A_335 = tpu.matmul %get3A_333, %get3A_10, %dot_general3A_334 {dimension_numbers = #tpu.dot_dimension_numbers<[1], [0], [0], [1], [0, 0, 1, 1], [], []>, transpose_lhs_hint = false} : vector<512x128xf32>, vector<128x128xf32>, vector<512x128xf32> -> vector<512x128xf32>
    %add3A_336 = arith.addf %get3A_4, %dot_general3A_335 : vector<512x128xf32>
    %ge3A_337 = arith.constant 0.000000e+00 : f32
    %ge3A_338 = vector.broadcast %ge3A_337 : f32 to vector<512x128xf32>
    %ge3A_339 = arith.cmpf oge, %add3A_336, %ge3A_338 : vector<512x128xf32>
    %mul3A_340 = arith.constant 2.000000e-01 : f32
    %mul3A_341 = vector.broadcast %mul3A_340 : f32 to vector<512x128xf32>
    %mul3A_342 = arith.mulf %mul3A_341, %add3A_336 : vector<512x128xf32>
    %select_n3A_343 = arith.select %ge3A_339, %add3A_336, %mul3A_342 : vector<512x128xi1>, vector<512x128xf32>
    %div3A_344 = arith.divf %exp3A_204, %add3A_213 : vector<512x1xf32>
    %mul3A_345 = vector.broadcast %div3A_344 : vector<512x1xf32> to vector<512x128xf32>
    %mul3A_346 = arith.mulf %mul3A_345, %select_n3A_343 : vector<512x128xf32>
    %add3A_347 = arith.addf %add3A_328, %mul3A_346 : vector<512x128xf32>
    %get3A_348 = arith.constant 0 : index
    %get3A_349 = arith.constant 7 : index
    %get3A_350 = arith.constant 0 : index
    %get3A_351 = vector.load %arg1[%get3A_348, %get3A_349, %get3A_350] : memref<512x8x128xf32, #tpu.memory_space<vmem>>, vector<512x1x128xf32>
    %get3A_352 = vector.shape_cast %get3A_351 : vector<512x1x128xf32> to vector<512x128xf32>
    %dot_general3A_353 = arith.constant dense<0.000000e+00> : vector<512x128xf32>
    %dot_general3A_354 = tpu.matmul %get3A_352, %get3A_10, %dot_general3A_353 {dimension_numbers = #tpu.dot_dimension_numbers<[1], [0], [0], [1], [0, 0, 1, 1], [], []>, transpose_lhs_hint = false} : vector<512x128xf32>, vector<128x128xf32>, vector<512x128xf32> -> vector<512x128xf32>
    %add3A_355 = arith.addf %get3A_4, %dot_general3A_354 : vector<512x128xf32>
    %ge3A_356 = arith.constant 0.000000e+00 : f32
    %ge3A_357 = vector.broadcast %ge3A_356 : f32 to vector<512x128xf32>
    %ge3A_358 = arith.cmpf oge, %add3A_355, %ge3A_357 : vector<512x128xf32>
    %mul3A_359 = arith.constant 2.000000e-01 : f32
    %mul3A_360 = vector.broadcast %mul3A_359 : f32 to vector<512x128xf32>
    %mul3A_361 = arith.mulf %mul3A_360, %add3A_355 : vector<512x128xf32>
    %select_n3A_362 = arith.select %ge3A_358, %add3A_355, %mul3A_361 : vector<512x128xi1>, vector<512x128xf32>
    %div3A_363 = arith.divf %exp3A_206, %add3A_213 : vector<512x1xf32>
    %mul3A_364 = vector.broadcast %div3A_363 : vector<512x1xf32> to vector<512x128xf32>
    %mul3A_365 = arith.mulf %mul3A_364, %select_n3A_362 : vector<512x128xf32>
    %add3A_366 = arith.addf %add3A_347, %mul3A_365 : vector<512x128xf32>
    %swap3A = arith.constant 0 : index
    %swap3A_367 = arith.constant 0 : index
    %swap3A_368 = vector.load %arg8[%swap3A, %swap3A_367] : memref<512x128xf32, #tpu.memory_space<vmem>>, vector<512x128xf32>
    tpu.vector_store %arg8[%swap3A, %swap3A_367], %add3A_366 {strides = array<i32>} : memref<512x128xf32, #tpu.memory_space<vmem>>, vector<512x128xf32>,
    return
  }
  func.func @transform_0(%arg0: i32) -> (i32, i32, i32) {
    %c0_i32 = arith.constant 0 : i32
    %c0_i32_0 = arith.constant 0 : i32
    %c0_i32_1 = arith.constant 0 : i32
    return %arg0, %c0_i32, %c0_i32_0 : i32, i32, i32
  }
  func.func @transform_1(%arg0: i32) -> (i32, i32) {
    %c0_i32 = arith.constant 0 : i32
    %c0_i32_0 = arith.constant 0 : i32
    return %arg0, %c0_i32 : i32, i32
  }
  func.func @transform_2(%arg0: i32) -> (i32, i32) {
    %c0_i32 = arith.constant 0 : i32
    %c0_i32_0 = arith.constant 0 : i32
    return %arg0, %c0_i32 : i32, i32
  }
  func.func @transform_3(%arg0: i32) -> (i32, i32) {
    %c0_i32 = arith.constant 0 : i32
    %c0_i32_0 = arith.constant 0 : i32
    %c0_i32_1 = arith.constant 0 : i32
    return %c0_i32, %c0_i32_0 : i32, i32
  }
  func.func @transform_4(%arg0: i32) -> (i32, i32) {
    %c0_i32 = arith.constant 0 : i32
    %c0_i32_0 = arith.constant 0 : i32
    %c0_i32_1 = arith.constant 0 : i32
    return %c0_i32, %c0_i32_0 : i32, i32
  }
  func.func @transform_5(%arg0: i32) -> (i32, i32) {
    %c0_i32 = arith.constant 0 : i32
    %c0_i32_0 = arith.constant 0 : i32
    %c0_i32_1 = arith.constant 0 : i32
    return %c0_i32, %c0_i32_0 : i32, i32
  }
  func.func @transform_6(%arg0: i32) -> (i32, i32) {
    %c0_i32 = arith.constant 0 : i32
    %c0_i32_0 = arith.constant 0 : i32
    %c0_i32_1 = arith.constant 0 : i32
    return %c0_i32, %c0_i32_0 : i32, i32
  }
  func.func @transform_7(%arg0: i32) -> (i32, i32) {
    %c0_i32 = arith.constant 0 : i32
    %c0_i32_0 = arith.constant 0 : i32
    return %arg0, %c0_i32 : i32, i32
  }
}

</mosaic_0001>

<sc_bundles>
// kernel: kernel.15.cloned.1.call-start
scs
__scs_entry_jumppad:
0x0: {  	(pc) =	sbr.rel $0x88, $3  }
0x1: {  	(tag) =	ssettag $0x0;
	lr =	simm.s32 $0x1  }
0x2: {  	[smem:$0x3F96] =	sst lr;
	_ =	strace $0xD0000000  }
0x3: {  	_ = 	snop  }
0x4: {  	_ = 	snop  }
0x5: {  	_ = 	snop  }
0x6: {  	_ = 	snop  }
0x7: {  	_ = 	snop  }
__scs_overlays_trampoline_lowered:
0x8: {  	[smem:$0x3FA5] =	sst s0  }
0x9: {  	[smem:$0x3FA6] =	sst s1  }
0xa: {  	[smem:$0x3FA7] =	sst s2  }
0xb: {  	[smem:$0x3FA8] =	sst s3  }
0xc: {  	[smem:$0x3FA9] =	sst s4  }
0xd: {  	[smem:$0x3FAA] =	sst s5  }
0xe: {  	[smem:$0x3FAB] =	sst s6  }
0xf: {  	[smem:$0x3FAC] =	sst s7  }
0x10: {  	[smem:$0x3FAD] =	sst s8  }
0x11: {  	[smem:$0x3FAE] =	sst s9;
	s0 =	simm.s32 @!p0 $0x0  }
0x12: {  	s1 =	sld [smem:$0x3F94];
	s0 =	simm.s32 @p0 $0x1  }
0x13: {  	[smem:$0x3FAF] =	sst s0;
	s0 =	simm.s32 @!p1 $0x0  }
0x14: {  	s2 =	sld [smem:$0x3F93];
	s0 =	simm.s32 @p1 $0x1  }
0x15: {  	[smem:$0x3FB0] =	sst s0;
	s0 =	simm.s32 @!p2 $0x0  }
0x16: {  	s3 =	sld [smem:$0x3FDB];
	s0 =	simm.s32 @p2 $0x1  }
0x17: {  	s4 =	simm.s32 $0x1BF5;
	[smem:$0x3FB2] =	sst s0  }
0x18: {  	s0 =	sld [smem:$0x3F95];
	_ =	swait.ge [sflag:s4], $0x0  }
0x19: {  	s7 =	sld [smem:$0x3F96]  }
0x1a: {  	s8 =	sadd.s32 $0xFFFFE003, lr  }
0x1b: {  	s9 =	sadd.s32 $0xFFFFFEF7, lr;
	s5 =	simm.s32 $0xFFFFFFFF;
	p2 =	slt.u32 s8, $0xFFFFF086  }
0x1c: {  	p1 =	slt.u32 s9, $0xF7A;
	s5 =	simm.s32 @!p2 $0x0  }
0x1d: {  	s5 =	simm.s32 @p1 $0x1;
	p0 =	seq.s32 s7, s2  }
0x1e: {  	s7 =	smul.u32 @!p0 $0xF7A, s2;
	p2 =	seq.s32 @!p0 s5, $0x0  }
0x1f: {  	s9 =	smul.u32 $0xF7A, s1;
	s8 =	simm.s32 @!p0 $0x1BF5;
	p2 =	por !p2, p0  }
0x20: {  	[sflag:s8] =	ssyncset.s32 @!p0 $0xFFFFF086;
	s6 =	sadd.s32 @!p0 s3, s7;
	s7 =	simm.s32 @!p0 $0x108  }
0x21: {  	s3 =	sadd.s32 s3, s9;
	s6 =	sadd.s32 @!p0 $0x88, s6;
	s7 =	simm.s32 @p2 $0x1082  }
0x22: {  	[simem:s7], [sflag:s8] =	dma.local @!p0 [hbm:s6], $0xF7A  }
0x23: {  	s9 =	sor.u32 $0xD0000000, s2;
	s6 =	simm.s32 $0x108;
	_ =	swait.ge @!p0 [sflag:s8], $0x0  }
0x24: {  	s3 =	sadd.s32 $0x88, s3;
	s6 =	simm.s32 @!p1 $0x1082;
	[sflag:s4] =	ssyncset.s32 $0xFFFFF086  }
0x25: {  	[simem:s6], [sflag:s4] =	dma.local [hbm:s3], $0xF7A  }
0x26: {  	[smem:$0x3F96] =	sst s1;
	(tag) =	ssettag s2;
	_ =	strace s9  }
0x27: {  	s1 =	sld [smem:$0x3FA6]  }
0x28: {  	s2 =	sld [smem:$0x3FA7]  }
0x29: {  	s4 =	sld [smem:$0x3FA9]  }
0x2a: {  	p0 =	seq.s32 s5, $0x0;
	s5 =	sld [smem:$0x3FAA]  }
0x2b: {  	s6 =	sld [smem:$0x3FAB]  }
0x2c: {  	s7 =	sld [smem:$0x3FAC]  }
0x2d: {  	s3 =	simm.s32 $0x108;
	s8 =	sld [smem:$0x3FAD]  }
0x2e: {  	s3 =	simm.s32 @!p0 $0x1082;
	s9 =	sld [smem:$0x3FAE]  }
0x2f: {  	lr =	sadd.s32 s0, s3;
	s0 =	sld [smem:$0x3FA5]  }
0x30: {  	s3 =	sld [smem:$0x3FA8]  }
0x31: {  	[smem:$0x3FB1] =	sst s10  }
0x32: {  	s10 =	sld [smem:$0x3FAF];
	_ =	sdelay $0x3  }
0x33: {  	p0 =	seq.s32 s10, $0x1;
	s10 =	sld [smem:$0x3FB1];
	_ =	sdelay $0x3  }
0x34: {  	[smem:$0x3FB1] =	sst s10  }
0x35: {  	s10 =	sld [smem:$0x3FB0];
	_ =	sdelay $0x3  }
0x36: {  	p1 =	seq.s32 s10, $0x1;
	s10 =	sld [smem:$0x3FB1];
	_ =	sdelay $0x3  }
0x37: {  	[smem:$0x3FB1] =	sst s10  }
0x38: {  	s10 =	sld [smem:$0x3FB2]  }
0x39: {  	_ = 	snop;
	(pc) =	sbr.ind lr, $3  }
0x3a: {  	_ = 	snop  }
0x3b: {  	_ = 	snop  }
0x3c: {  	p2 =	seq.s32 s10, $0x1;
	s10 =	sld [smem:$0x3FB1]  }
0x3d: {  	_ =	shalt  }
0x3e: {  	_ =	shalt  }
0x3f: {  	_ =	shalt  }
0x40: {  	_ =	shalt  }
0x41: {  	_ =	shalt  }
0x42: {  	_ =	shalt  }
0x43: {  	_ =	shalt  }
0x44: {  	_ =	shalt  }
0x45: {  	_ =	shalt  }
0x46: {  	_ =	shalt  }
0x47: {  	_ =	shalt  }
0x48: {  	_ =	shalt  }
0x49: {  	_ =	shalt  }
0x4a: {  	_ =	shalt  }
0x4b: {  	_ =	shalt  }
0x4c: {  	_ =	shalt  }
0x4d: {  	_ =	shalt  }
0x4e: {  	_ =	shalt  }
0x4f: {  	_ =	shalt  }
0x50: {  	_ =	shalt  }
0x51: {  	_ =	shalt  }
0x52: {  	_ =	shalt  }
0x53: {  	_ =	shalt  }
0x54: {  	_ =	shalt  }
0x55: {  	_ =	shalt  }
0x56: {  	_ =	shalt  }
0x57: {  	_ =	shalt  }
0x58: {  	_ =	shalt  }
0x59: {  	_ =	shalt  }
0x5a: {  	_ =	shalt  }
0x5b: {  	_ =	shalt  }
0x5c: {  	_ =	shalt  }
0x5d: {  	_ =	shalt  }
0x5e: {  	_ =	shalt  }
0x5f: {  	_ =	shalt  }
0x60: {  	_ =	shalt  }
0x61: {  	_ =	shalt  }
0x62: {  	_ =	shalt  }
0x63: {  	_ =	shalt  }
0x64: {  	_ =	shalt  }
0x65: {  	_ =	shalt  }
0x66: {  	_ =	shalt  }
0x67: {  	_ =	shalt  }
0x68: {  	_ =	shalt  }
0x69: {  	_ =	shalt  }
0x6a: {  	_ =	shalt  }
0x6b: {  	_ =	shalt  }
0x6c: {  	_ =	shalt  }
0x6d: {  	_ =	shalt  }
0x6e: {  	_ =	shalt  }
0x6f: {  	_ =	shalt  }
0x70: {  	_ =	shalt  }
0x71: {  	_ =	shalt  }
0x72: {  	_ =	shalt  }
0x73: {  	_ =	shalt  }
0x74: {  	_ =	shalt  }
0x75: {  	_ =	shalt  }
0x76: {  	_ =	shalt  }
0x77: {  	_ =	shalt  }
0x78: {  	_ =	shalt  }
0x79: {  	_ =	shalt  }
0x7a: {  	_ =	shalt  }
0x7b: {  	_ =	shalt  }
0x7c: {  	_ =	shalt  }
0x7d: {  	_ =	shalt  }
0x7e: {  	_ =	shalt  }
0x7f: {  	_ =	shalt  }
0x80: {  	_ =	shalt  }
0x81: {  	_ =	shalt  }
0x82: {  	_ =	shalt  }
0x83: {  	_ =	shalt  }
0x84: {  	_ =	shalt  }
0x85: {  	_ =	shalt  }
0x86: {  	_ =	shalt  }
0x87: {  	_ =	shalt  }
.Lfunc_end0:
.L_simem_size_0:
called_computation_lowered:
.L_overlay_start_0:
0x88: {  	s2 =	sld [smem:$0x3FD9]  }
0x89: {  	s3 =	sld [smem:$0x3FFE];
	_ =	sdelay $0x1  }
0x8a: {  	s1 =	srdreg.scid  }
0x8b: {  	s0 =	sand.u32 $0x1, s1  }
0x8c: {  	s16 =	sshll.u32 s0, $0xA;
	s2 =	sadd.s32 s3, s2  }
0x8d: {  	s2 =	sadd.s32 s2, s16  }
0x8e: {  	[smem:$0x3FBD] =	sst s2  }
0x8f: {  	_ = 	snop  }
0x90: {  	(tm) =	ssettm $0x1  }
0x91: {  	s17 =	sld [smem:$0x3FFB];
	_ =	sdelay $0x3  }
0x92: {  	_ =	strace s17  }
0x93: {  	s2 =	sld [smem:$0x3FFC];
	_ =	sdelay $0x3  }
0x94: {  	_ =	strace s2  }
0x95: {  	s2 =	sld [smem:$0x3FFD];
	_ =	sdelay $0x3  }
0x96: {  	_ =	strace s2  }
0x97: {  	_ =	strace $0x8FFFFFFF  }
0x98: {  	s18 =	sld [smem:$0x3FDB];
	_ =	sdelay $0x1  }
0x99: {  	s19 =	simm.s32 $_scs_section_size  }
0x9a: {  	s4 =	simm.s32 $_size__tile_overlayer_lowered;
	s5 =	simm.s32 $_tile_overlayer_lowered  }
0x9b: {  	s22 =	simm.s32 $0x1BFF;
	s21 =	sshll.u32 s5, $0x1;
	s2 =	sadd.s32 s19, s18  }
0x9c: {  	s6 =	simm.s32 $0x0;
	s20 =	sshll.u32 s4, $0x1;
	s4 =	sadd.s32 s21, s2  }
0x9d: {  	[timem:s6], [sflag:s22] =	dma.local [hbm:s4], s20  }
0x9e: {  	_ =	swait.ge [sflag:s22], s20  }
0x9f: {  	s3 =	ssub.s32 $0x0, s20;
	[sflag:s22] =	ssyncset.done $0x0  }
0xa0: {  	[sflag:s22] =	ssyncadd.s32 s3;
	_ =	sdelay $0x1  }
0xa1: {  	s23 =	simm.s32 $0x1B8B  }
0xa2: {  	_ =	swait.ge [sflag:s23], $0x1  }
0xa3: {  	[sflag:s23] =	ssyncset.done $0x0  }
0xa4: {  	s25 =	simm.s32 $0x1B8E;
	s24 =	sld [smem:$0x3FFE];
	[sflag:s23] =	ssyncadd.s32 $0xFFFFFFFF  }
0xa5: {  	s26 =	simm.s32 $execute0_lowered;
	[smem:$0x3FD2] =	sst s25  }
0xa6: {  	s4 =	sshll.u32 s26, $0x1;
	_ =	strace $0x80000046;
	[dreg:$0x1] =	wrdreg $0xFFFFFFFF  }
0xa7: {  	s28 =	simm.s32 $_size_execute0_lowered;
	s2 =	sadd.s32 s2, s4;
	[dreg:$0x0] =	wrdreg $0x0  }
0xa8: {  	s4 =	sshll.u32 s28, $0x1;
	[dreg:$0x2] =	wrdreg s2  }
0xa9: {  	[dreg:$0x3] =	wrdreg s4  }
0xaa: {  	[dreg:$0x4] =	wrdreg $0xC0  }
0xab: {  	_ =	task [dreg:s6], $0x5FFFF  }
0xac: {  	[dreg:$0x1] =	wrdreg $0xFFFFFFFF  }
0xad: {  	[dreg:$0x0] =	wrdreg $0x60  }
0xae: {  	[dreg:$0x2] =	wrdreg s24  }
0xaf: {  	[dreg:$0x3] =	wrdreg $0x9  }
0xb0: {  	_ =	task.clear_ibuf [dreg:s6], $0x4FFFF;
	_ =	strace $0x90000046  }
0xb1: {  	s29 =	simm.s32 $0x9;
	_ =	strace $0x80000048  }
0xb2: {  	_ =	swait.ge [sflag:s29], $0x1  }
0xb3: {  	[sflag:s29] =	ssyncadd.s32 $0xFFFFFFFF  }
0xb4: {  	_ =	strace $0x90000048  }
0xb5: {  	_ =	sfence  }
0xb6: {  	s30 =	sld [smem:$0x0];
	_ =	sdelay $0x2  }
0xb7: {  	s31 =	sshll.u32 s1, $0xD;
	s1 =	sshrl.u32 s1, $0x2  }
0xb8: {  	s3 =	sand.u32 $0x4000, s31;
	s1 =	sadd.s32 s1, s30  }
0xb9: {  	s0 =	sor.u32 s3, s0;
	s1 =	sshll.u32 s1, $0x11  }
0xba: {  	s0 =	sor.u32 s1, s0  }
0xbb: {  	s0 =	sadd.s32 $0x8F2B, s0  }
0xbc: {  	[sflag:s0] =	ssyncadd.remote.s32 $0x1  }
0xbd: {  	_ =	sfence.sel $0xFFFF  }
0xbe: {  	[dreg:$0x0] =	wrdreg $0xFFFFFFFF;
	(pc) =	sbr.abs _section_cstart, $3  }
0xbf: {  	[dreg:$0x1] =	wrdreg $0xFFFFFFFF  }
0xc0: {  	_ =	task.clear_ibuf [dreg:s6], $0x2FFFF;
	_ =	strace $0x9FFFFFFF  }
0xc1: {  	(tm) =	ssettm $0x7FFFFFFF  }
tec
execute0_lowered:
.L_overlay_start_1:
0x0: {  	(tag) =	ssettag $0x1  }
0x1: {  	s4 =	rddreg [dreg:$0x0]  }
0x2: {  	s0 =	rddreg [dreg:$0x1];
	s2 =	simm.s32 $0x0;
	s3 =	srdreg.scid  }
0x3: {  	s1 =	stileid.u32;
	s10 =	simm.s32 $0x0;
	[smem:$0x7FF] =	sst s2  }
0x4: {  	s5 =	sand.u32 $0x1, s3;
	s6 =	sshll.u32 s1, $0xB;
	s3 =	sadd.s32 $0x3800, s4  }
0x5: {  	s8 =	sshll.u32 s1, $0xF;
	_ =	strace $0x80000047;
	s7 =	sshll.u32 s5, $0xA  }
0x6: {  	s31 =	ssub.s32 $0x2, s5;
	s8 =	sadd.s32 s8, s4;
	s5 =	sshll.u32 s5, $0xE  }
0x7: {  	s6 =	sor.u32 s7, s6;
	s9 =	sshrl.u32 s31, $0x1;
	s5 =	sadd.s32 s5, s8  }
0x8: {  	s8 =	simm.s32 $0x80;
	s6 =	sshrl.u32 s6, $0x3;
	s7 =	ssub.s32 s31, s9  }
0x9: {  	s5 =	sadd.s32 $0x43800, s5;
	s9 =	simm.s32 $0x1;
	s6 =	sadd.s32 s6, s4  }
0xa: {  	s4 =	smax.u32 s7, $0x1;
	s7 =	simm.s32 $0x2;
	s6 =	sadd.s32 $0x2800, s6  }
.LBB2_1:
0xb: {  	s11 =	sadd.s32 $0x0, s6  }
0xc: {  	[tilespmem:s2], [sflag:$0x2] =	stream.linear.gather [hbm4b:s11+s2], $0x80, $0x38;
	[tilespmem:$0x4080] =	vst v63  }
0xd: {  	_ =	swait.ge [sflag:s7], $0x80  }
0xe: {  	[sflag:s7] =	ssyncset.done $0x0  }
0xf: {  	[sflag:s7] =	ssyncadd.s32 $0xFFFFFF80  }
0x10: {  	[tilespmem:s8], [sflag:$0x1] =	stream.indirect.gather [hbm4b:s3+s8], $0x80, s2, s8, $0xb8;
	[tilespmem:$0x4080] =	vst v63  }
0x11: {  	_ =	swait.ge [sflag:s9], $0x4000  }
0x12: {  	[sflag:s9] =	ssyncset.done $0x0  }
0x13: {  	[sflag:s9] =	ssyncadd.s32 $0xFFFFC000  }
0x14: {  	[hbm4b:s5+s2] =	stream.linear.scatter [tilespmem:s8], [sflag:$0x2], $0x4000, $0x38;
	[tilespmem:$0x4080] =	vst v63  }
0x15: {  	s12 =	simm.s32 $0x10;
	_ =	swait.ge [sflag:s7], $0x4000  }
0x16: {  	s13 =	simm.s32 $0x20;
	s11 =	sadd.s32 $0x800, s5;
	[sflag:s7] =	ssyncset.done $0x0  }
.LBB2_2:
0x17: {  	s14 =	sadd.s32 s12, s6  }
0x18: {  	[sflag:s7] =	ssyncadd.s32 $0xFFFFC000;
	s12 =	smov.u32 s13;
	s15 =	sadd.s32 $0x10, s13  }
0x19: {  	[tilespmem:s2], [sflag:$0x2] =	stream.linear.gather [hbm4b:s14+s2], $0x80, $0x38;
	[tilespmem:$0x4080] =	vst v63  }
0x1a: {  	p0 =	sne.s32 s13, $0x70;
	_ =	swait.ge [sflag:s7], $0x80  }
0x1b: {  	[sflag:s7] =	ssyncset.done $0x0  }
0x1c: {  	[sflag:s7] =	ssyncadd.s32 $0xFFFFFF80  }
0x1d: {  	[tilespmem:s8], [sflag:$0x1] =	stream.indirect.gather [hbm4b:s3+s8], $0x80, s2, s8, $0xb8;
	[tilespmem:$0x4080] =	vst v63  }
0x1e: {  	_ =	swait.ge [sflag:s9], $0x4000  }
.Ltmp0:
0x1f: {  	[sflag:s9] =	ssyncset.done $0x0;
	(pc) =	sbr.rel @p0 .LBB2_2-.Ltmp0, $4  }
0x20: {  	[sflag:s9] =	ssyncadd.s32 $0xFFFFC000  }
0x21: {  	[hbm4b:s11+s2] =	stream.linear.scatter [tilespmem:s8], [sflag:$0x2], $0x4000, $0x38;
	[tilespmem:$0x4080] =	vst v63  }
0x22: {  	_ =	swait.ge [sflag:s7], $0x4000  }
0x23: {  	s13 =	smov.u32 s15;
	s11 =	sadd.s32 $0x800, s11;
	[sflag:s7] =	ssyncset.done $0x0  }
0x24: {  	s12 =	sadd.s32 s12, s6;
	[sflag:s7] =	ssyncadd.s32 $0xFFFFC000  }
0x25: {  	[tilespmem:s2], [sflag:$0x2] =	stream.linear.gather [hbm4b:s12+s2], $0x80, $0x38;
	[tilespmem:$0x4080] =	vst v63  }
0x26: {  	_ =	swait.ge [sflag:s7], $0x80  }
0x27: {  	[sflag:s7] =	ssyncset.done $0x0  }
0x28: {  	[sflag:s7] =	ssyncadd.s32 $0xFFFFFF80  }
0x29: {  	[tilespmem:s8], [sflag:$0x1] =	stream.indirect.gather [hbm4b:s3+s8], $0x80, s2, s8, $0xb8;
	[tilespmem:$0x4080] =	vst v63  }
0x2a: {  	s10 =	sadd.s32 $0x1, s10;
	_ =	swait.ge [sflag:s9], $0x4000  }
0x2b: {  	p0 =	sne.s32 s10, s4;
	[sflag:s9] =	ssyncset.done $0x0  }
.Ltmp1:
0x2c: {  	[sflag:s9] =	ssyncadd.s32 $0xFFFFC000;
	(pc) =	sbr.rel @p0 .LBB2_1-.Ltmp1, $4  }
0x2d: {  	[hbm4b:s11+s2] =	stream.linear.scatter [tilespmem:s8], [sflag:$0x2], $0x4000, $0x38;
	[tilespmem:$0x4080] =	vst v63  }
0x2e: {  	_ =	swait.ge [sflag:s7], $0x4000  }
0x2f: {  	[sflag:s7] =	ssyncset.done $0x0  }
0x30: {  	[sflag:s7] =	ssyncadd.s32 $0xFFFFC000  }
0x31: {  	_ =	sfence.sel $0x180000  }
0x32: {  	[bflag:$0x0] =	sbarrier.arrive $0xFFFF  }
0x33: {  	p0 =	sne.s32 s1, $0x0;
	_ =	strace $0x90000047  }
0x34: {  	s0 =	sadd.s32 @!p0 $0x100000, s0;
	[bflag:$0x2] =	sbarrier.arrive $0xFFFF  }
0x35: {  	[sflag:s0] =	ssyncadd.tile.s32 @!p0 $0x1;
	_ =	shalt  }
.Lfunc_end2:
_tile_overlayer_lowered:
.L_overlay_start_2:
0x36: {  	(tag) =	ssettag $0x2  }
0x37: {  	s0 =	rddreg [dreg:$0x0];
	s2 =	stileid.u32  }
0x38: {  	s1 =	rddreg [dreg:$0x1];
	p0 =	sne.s32 s2, $0x0  }
0x39: {  	s3 =	rddreg [dreg:$0x2];
	[bflag:$0x3] =	sbarrier.arrive $0xFFFF;
	s2 =	simm.s32 @!p0 $0x1C02  }
0x3a: {  	[timem:s3], [sflag:s2] =	dma.local @!p0 [hbm:s0], s1  }
0x3b: {  	s0 =	simm.s32 @!p0 $0x2  }
0x3c: {  	_ =	swait.ge @!p0 [sflag:s0], s1  }
0x3d: {  	s1 =	ssub.s32 @!p0 $0x0, s1;
	[sflag:s0] =	ssyncset.done @!p0 $0x0  }
0x3e: {  	[sflag:s0] =	ssyncadd.s32 @!p0 s1  }
0x3f: {  	[bflag:$0x3] =	sbarrier.arrive $0xFFFF  }
0x40: {  	_ =	shalt  }

// kernel: kernel.18.cloned.1.call-start
scs
__scs_entry_jumppad:
0x0: {  	(pc) =	sbr.rel $0x88, $3  }
0x1: {  	(tag) =	ssettag $0x0;
	lr =	simm.s32 $0x1  }
0x2: {  	[smem:$0x3F96] =	sst lr;
	_ =	strace $0xD0000000  }
0x3: {  	_ = 	snop  }
0x4: {  	_ = 	snop  }
0x5: {  	_ = 	snop  }
0x6: {  	_ = 	snop  }
0x7: {  	_ = 	snop  }
__scs_overlays_trampoline_lowered:
0x8: {  	[smem:$0x3FA5] =	sst s0  }
0x9: {  	[smem:$0x3FA6] =	sst s1  }
0xa: {  	[smem:$0x3FA7] =	sst s2  }
0xb: {  	[smem:$0x3FA8] =	sst s3  }
0xc: {  	[smem:$0x3FA9] =	sst s4  }
0xd: {  	[smem:$0x3FAA] =	sst s5  }
0xe: {  	[smem:$0x3FAB] =	sst s6  }
0xf: {  	[smem:$0x3FAC] =	sst s7  }
0x10: {  	[smem:$0x3FAD] =	sst s8  }
0x11: {  	[smem:$0x3FAE] =	sst s9;
	s0 =	simm.s32 @!p0 $0x0  }
0x12: {  	s1 =	sld [smem:$0x3F94];
	s0 =	simm.s32 @p0 $0x1  }
0x13: {  	[smem:$0x3FAF] =	sst s0;
	s0 =	simm.s32 @!p1 $0x0  }
0x14: {  	s2 =	sld [smem:$0x3F93];
	s0 =	simm.s32 @p1 $0x1  }
0x15: {  	[smem:$0x3FB0] =	sst s0;
	s0 =	simm.s32 @!p2 $0x0  }
0x16: {  	s3 =	sld [smem:$0x3FDB];
	s0 =	simm.s32 @p2 $0x1  }
0x17: {  	s4 =	simm.s32 $0x1BF5;
	[smem:$0x3FB2] =	sst s0  }
0x18: {  	s0 =	sld [smem:$0x3F95];
	_ =	swait.ge [sflag:s4], $0x0  }
0x19: {  	s7 =	sld [smem:$0x3F96]  }
0x1a: {  	s8 =	sadd.s32 $0xFFFFE003, lr  }
0x1b: {  	s9 =	sadd.s32 $0xFFFFFEF7, lr;
	s5 =	simm.s32 $0xFFFFFFFF;
	p2 =	slt.u32 s8, $0xFFFFF086  }
0x1c: {  	p1 =	slt.u32 s9, $0xF7A;
	s5 =	simm.s32 @!p2 $0x0  }
0x1d: {  	s5 =	simm.s32 @p1 $0x1;
	p0 =	seq.s32 s7, s2  }
0x1e: {  	s7 =	smul.u32 @!p0 $0xF7A, s2;
	p2 =	seq.s32 @!p0 s5, $0x0  }
0x1f: {  	s9 =	smul.u32 $0xF7A, s1;
	s8 =	simm.s32 @!p0 $0x1BF5;
	p2 =	por !p2, p0  }
0x20: {  	[sflag:s8] =	ssyncset.s32 @!p0 $0xFFFFF086;
	s6 =	sadd.s32 @!p0 s3, s7;
	s7 =	simm.s32 @!p0 $0x108  }
0x21: {  	s3 =	sadd.s32 s3, s9;
	s6 =	sadd.s32 @!p0 $0x88, s6;
	s7 =	simm.s32 @p2 $0x1082  }
0x22: {  	[simem:s7], [sflag:s8] =	dma.local @!p0 [hbm:s6], $0xF7A  }
0x23: {  	s9 =	sor.u32 $0xD0000000, s2;
	s6 =	simm.s32 $0x108;
	_ =	swait.ge @!p0 [sflag:s8], $0x0  }
0x24: {  	s3 =	sadd.s32 $0x88, s3;
	s6 =	simm.s32 @!p1 $0x1082;
	[sflag:s4] =	ssyncset.s32 $0xFFFFF086  }
0x25: {  	[simem:s6], [sflag:s4] =	dma.local [hbm:s3], $0xF7A  }
0x26: {  	[smem:$0x3F96] =	sst s1;
	(tag) =	ssettag s2;
	_ =	strace s9  }
0x27: {  	s1 =	sld [smem:$0x3FA6]  }
0x28: {  	s2 =	sld [smem:$0x3FA7]  }
0x29: {  	s4 =	sld [smem:$0x3FA9]  }
0x2a: {  	p0 =	seq.s32 s5, $0x0;
	s5 =	sld [smem:$0x3FAA]  }
0x2b: {  	s6 =	sld [smem:$0x3FAB]  }
0x2c: {  	s7 =	sld [smem:$0x3FAC]  }
0x2d: {  	s3 =	simm.s32 $0x108;
	s8 =	sld [smem:$0x3FAD]  }
0x2e: {  	s3 =	simm.s32 @!p0 $0x1082;
	s9 =	sld [smem:$0x3FAE]  }
0x2f: {  	lr =	sadd.s32 s0, s3;
	s0 =	sld [smem:$0x3FA5]  }
0x30: {  	s3 =	sld [smem:$0x3FA8]  }
0x31: {  	[smem:$0x3FB1] =	sst s10  }
0x32: {  	s10 =	sld [smem:$0x3FAF];
	_ =	sdelay $0x3  }
0x33: {  	p0 =	seq.s32 s10, $0x1;
	s10 =	sld [smem:$0x3FB1];
	_ =	sdelay $0x3  }
0x34: {  	[smem:$0x3FB1] =	sst s10  }
0x35: {  	s10 =	sld [smem:$0x3FB0];
	_ =	sdelay $0x3  }
0x36: {  	p1 =	seq.s32 s10, $0x1;
	s10 =	sld [smem:$0x3FB1];
	_ =	sdelay $0x3  }
0x37: {  	[smem:$0x3FB1] =	sst s10  }
0x38: {  	s10 =	sld [smem:$0x3FB2]  }
0x39: {  	_ = 	snop;
	(pc) =	sbr.ind lr, $3  }
0x3a: {  	_ = 	snop  }
0x3b: {  	_ = 	snop  }
0x3c: {  	p2 =	seq.s32 s10, $0x1;
	s10 =	sld [smem:$0x3FB1]  }
0x3d: {  	_ =	shalt  }
0x3e: {  	_ =	shalt  }
0x3f: {  	_ =	shalt  }
0x40: {  	_ =	shalt  }
0x41: {  	_ =	shalt  }
0x42: {  	_ =	shalt  }
0x43: {  	_ =	shalt  }
0x44: {  	_ =	shalt  }
0x45: {  	_ =	shalt  }
0x46: {  	_ =	shalt  }
0x47: {  	_ =	shalt  }
0x48: {  	_ =	shalt  }
0x49: {  	_ =	shalt  }
0x4a: {  	_ =	shalt  }
0x4b: {  	_ =	shalt  }
0x4c: {  	_ =	shalt  }
0x4d: {  	_ =	shalt  }
0x4e: {  	_ =	shalt  }
0x4f: {  	_ =	shalt  }
0x50: {  	_ =	shalt  }
0x51: {  	_ =	shalt  }
0x52: {  	_ =	shalt  }
0x53: {  	_ =	shalt  }
0x54: {  	_ =	shalt  }
0x55: {  	_ =	shalt  }
0x56: {  	_ =	shalt  }
0x57: {  	_ =	shalt  }
0x58: {  	_ =	shalt  }
0x59: {  	_ =	shalt  }
0x5a: {  	_ =	shalt  }
0x5b: {  	_ =	shalt  }
0x5c: {  	_ =	shalt  }
0x5d: {  	_ =	shalt  }
0x5e: {  	_ =	shalt  }
0x5f: {  	_ =	shalt  }
0x60: {  	_ =	shalt  }
0x61: {  	_ =	shalt  }
0x62: {  	_ =	shalt  }
0x63: {  	_ =	shalt  }
0x64: {  	_ =	shalt  }
0x65: {  	_ =	shalt  }
0x66: {  	_ =	shalt  }
0x67: {  	_ =	shalt  }
0x68: {  	_ =	shalt  }
0x69: {  	_ =	shalt  }
0x6a: {  	_ =	shalt  }
0x6b: {  	_ =	shalt  }
0x6c: {  	_ =	shalt  }
0x6d: {  	_ =	shalt  }
0x6e: {  	_ =	shalt  }
0x6f: {  	_ =	shalt  }
0x70: {  	_ =	shalt  }
0x71: {  	_ =	shalt  }
0x72: {  	_ =	shalt  }
0x73: {  	_ =	shalt  }
0x74: {  	_ =	shalt  }
0x75: {  	_ =	shalt  }
0x76: {  	_ =	shalt  }
0x77: {  	_ =	shalt  }
0x78: {  	_ =	shalt  }
0x79: {  	_ =	shalt  }
0x7a: {  	_ =	shalt  }
0x7b: {  	_ =	shalt  }
0x7c: {  	_ =	shalt  }
0x7d: {  	_ =	shalt  }
0x7e: {  	_ =	shalt  }
0x7f: {  	_ =	shalt  }
0x80: {  	_ =	shalt  }
0x81: {  	_ =	shalt  }
0x82: {  	_ =	shalt  }
0x83: {  	_ =	shalt  }
0x84: {  	_ =	shalt  }
0x85: {  	_ =	shalt  }
0x86: {  	_ =	shalt  }
0x87: {  	_ =	shalt  }
.Lfunc_end0:
.L_simem_size_0:
called_computation.1_lowered:
.L_overlay_start_0:
0x88: {  	s2 =	sld [smem:$0x3FD9]  }
0x89: {  	s3 =	sld [smem:$0x3FFE];
	_ =	sdelay $0x1  }
0x8a: {  	s1 =	srdreg.scid  }
0x8b: {  	s0 =	sand.u32 $0x1, s1  }
0x8c: {  	s17 =	sshll.u32 s0, $0xA;
	s2 =	sadd.s32 s3, s2  }
0x8d: {  	s2 =	sadd.s32 s2, s17  }
0x8e: {  	[smem:$0x3FBD] =	sst s2  }
0x8f: {  	_ = 	snop  }
0x90: {  	(tm) =	ssettm $0x1  }
0x91: {  	s18 =	sld [smem:$0x3FFB];
	_ =	sdelay $0x3  }
0x92: {  	_ =	strace s18  }
0x93: {  	s2 =	sld [smem:$0x3FFC];
	_ =	sdelay $0x3  }
0x94: {  	_ =	strace s2  }
0x95: {  	s2 =	sld [smem:$0x3FFD];
	_ =	sdelay $0x3  }
0x96: {  	_ =	strace s2  }
0x97: {  	_ =	strace $0x8FFFFFFF  }
0x98: {  	s19 =	sld [smem:$0x3FDB];
	_ =	sdelay $0x1  }
0x99: {  	s20 =	simm.s32 $_scs_section_size  }
0x9a: {  	s4 =	simm.s32 $_size__tile_overlayer_lowered;
	s5 =	simm.s32 $_tile_overlayer_lowered  }
0x9b: {  	s6 =	simm.s32 $0x1BFF;
	s21 =	sshll.u32 s5, $0x1;
	s3 =	sadd.s32 s20, s19  }
0x9c: {  	s22 =	simm.s32 $0x0;
	s4 =	sshll.u32 s4, $0x1;
	s5 =	sadd.s32 s21, s3  }
0x9d: {  	[timem:s22], [sflag:s6] =	dma.local [hbm:s5], s4  }
0x9e: {  	_ =	swait.ge [sflag:s6], s4  }
0x9f: {  	s4 =	ssub.s32 $0x0, s4;
	[sflag:s6] =	ssyncset.done $0x0  }
0xa0: {  	[sflag:s6] =	ssyncadd.s32 s4;
	_ =	sdelay $0x1  }
0xa1: {  	s23 =	simm.s32 $0x1B8B  }
0xa2: {  	_ =	swait.ge [sflag:s23], $0x1  }
0xa3: {  	[sflag:s23] =	ssyncset.done $0x0  }
0xa4: {  	[sflag:s23] =	ssyncadd.s32 $0xFFFFFFFF  }
0xa5: {  	s4 =	sld [smem:$0x0]  }
0xa6: {  	s5 =	sand.u32 $0xFFFFFFFE, s1  }
0xa7: {  	p0 =	sne.s32 s1, s5  }
0xa8: {  	s5 =	sshll.u32 @p0 s5, $0xE  }
0xa9: {  	s5 =	sadd.s32 @p0 $0x11B8D, s5;
	s6 =	sshll.u32 @p0 s4, $0x11  }
0xaa: {  	s5 =	sor.u32 @p0 s6, s5  }
0xab: {  	[sflag:s5] =	ssyncadd.remote.s32 @p0 $0x1;
	_ =	sdelay $0x1  }
0xac: {  	s5 =	simm.s32 @p0 $0x1B8D  }
0xad: {  	_ =	swait.eq @p0 [sflag:s5], $0x1  }
0xae: {  	[sflag:s5] =	ssyncadd.s32 @p0 $0xFFFFFFFF  }
0xaf: {  	s6 =	sshll.u32 @!p0 s1, $0xE  }
0xb0: {  	s6 =	sor.u32 @!p0 $0x4000, s6;
	s5 =	simm.s32 @!p0 $0x1B8D  }
0xb1: {  	s4 =	sshll.u32 @!p0 s4, $0x11;
	s6 =	sadd.s32 @!p0 $0x11B8D, s6;
	_ =	swait.eq @!p0 [sflag:s5], $0x1  }
0xb2: {  	s4 =	sor.u32 @!p0 s4, s6;
	[sflag:s5] =	ssyncadd.s32 @!p0 $0xFFFFFFFF  }
0xb3: {  	s25 =	simm.s32 $0x1B8E;
	s24 =	sld [smem:$0x3FFE];
	[sflag:s4] =	ssyncadd.remote.s32 @!p0 $0x1  }
0xb4: {  	s26 =	simm.s32 $execute0_lowered;
	[smem:$0x3FD2] =	sst s25  }
0xb5: {  	s5 =	sshll.u32 s26, $0x1;
	_ =	strace $0x80000049;
	[dreg:$0x1] =	wrdreg $0xFFFFFFFF  }
0xb6: {  	s28 =	simm.s32 $_size_execute0_lowered;
	s3 =	sadd.s32 s3, s5;
	[dreg:$0x0] =	wrdreg $0x0  }
0xb7: {  	s5 =	sshll.u32 s28, $0x1;
	[dreg:$0x2] =	wrdreg s3  }
0xb8: {  	[dreg:$0x3] =	wrdreg s5  }
0xb9: {  	[dreg:$0x4] =	wrdreg $0xC0  }
0xba: {  	_ =	task [dreg:s22], $0x5FFFF  }
0xbb: {  	[dreg:$0x1] =	wrdreg $0xFFFFFFFF  }
0xbc: {  	[dreg:$0x0] =	wrdreg $0x60  }
0xbd: {  	[dreg:$0x2] =	wrdreg s24  }
0xbe: {  	[dreg:$0x3] =	wrdreg $0xA  }
0xbf: {  	_ =	task.clear_ibuf [dreg:s22], $0x4FFFF;
	_ =	strace $0x90000049  }
0xc0: {  	s29 =	simm.s32 $0xA;
	_ =	strace $0x8000004B  }
0xc1: {  	_ =	swait.ge [sflag:s29], $0x1  }
0xc2: {  	[sflag:s29] =	ssyncadd.s32 $0xFFFFFFFF  }
0xc3: {  	_ =	strace $0x9000004B  }
0xc4: {  	_ =	sfence  }
0xc5: {  	s30 =	sld [smem:$0x0];
	_ =	sdelay $0x2  }
0xc6: {  	s31 =	sshll.u32 s1, $0xD;
	s1 =	sshrl.u32 s1, $0x2  }
0xc7: {  	s4 =	sand.u32 $0x4000, s31;
	s1 =	sadd.s32 s1, s30  }
0xc8: {  	s0 =	sor.u32 s4, s0;
	s1 =	sshll.u32 s1, $0x11  }
0xc9: {  	s0 =	sor.u32 s1, s0  }
0xca: {  	s0 =	sadd.s32 $0x8F2B, s0  }
0xcb: {  	[sflag:s0] =	ssyncadd.remote.s32 $0x1  }
0xcc: {  	_ =	sfence.sel $0xFFFF  }
0xcd: {  	[dreg:$0x0] =	wrdreg $0xFFFFFFFF;
	(pc) =	sbr.abs _section_cstart, $3  }
0xce: {  	[dreg:$0x1] =	wrdreg $0xFFFFFFFF  }
0xcf: {  	_ =	task.clear_ibuf [dreg:s22], $0x2FFFF;
	_ =	strace $0x9FFFFFFF  }
0xd0: {  	(tm) =	ssettm $0x7FFFFFFF  }
0xd1: {  	_ =	shalt  }
tec
execute0_lowered:
.L_overlay_start_1:
0x0: {  	(tag) =	ssettag $0x1  }
0x1: {  	s4 =	rddreg [dreg:$0x0]  }
0x2: {  	s0 =	rddreg [dreg:$0x1];
	s2 =	simm.s32 $0x0;
	s3 =	srdreg.scid  }
0x3: {  	s1 =	stileid.u32;
	s10 =	simm.s32 $0x0;
	[smem:$0x7FF] =	sst s2  }
0x4: {  	s5 =	sand.u32 $0x1, s3;
	s6 =	sshll.u32 s1, $0xB;
	s3 =	sadd.s32 $0x3800, s4  }
0x5: {  	s8 =	sshll.u32 s1, $0xF;
	_ =	strace $0x8000004A;
	s7 =	sshll.u32 s5, $0xA  }
0x6: {  	s31 =	ssub.s32 $0x2, s5;
	s8 =	sadd.s32 s8, s4;
	s5 =	sshll.u32 s5, $0xE  }
0x7: {  	s6 =	sor.u32 s7, s6;
	s9 =	sshrl.u32 s31, $0x1;
	s5 =	sadd.s32 s5, s8  }
0x8: {  	s8 =	simm.s32 $0x80;
	s6 =	sshrl.u32 s6, $0x3;
	s7 =	ssub.s32 s31, s9  }
0x9: {  	s5 =	sadd.s32 $0xC4800, s5;
	s9 =	simm.s32 $0x1;
	s6 =	sadd.s32 s6, s4  }
0xa: {  	s4 =	smax.u32 s7, $0x1;
	s7 =	simm.s32 $0x2;
	s6 =	sadd.s32 $0xC3800, s6  }
.LBB2_1:
0xb: {  	s11 =	sadd.s32 $0x0, s6  }
0xc: {  	[tilespmem:s2], [sflag:$0x2] =	stream.linear.gather [hbm4b:s11+s2], $0x80, $0x38;
	[tilespmem:$0x4080] =	vst v63  }
0xd: {  	_ =	swait.ge [sflag:s7], $0x80  }
0xe: {  	[sflag:s7] =	ssyncset.done $0x0  }
0xf: {  	[sflag:s7] =	ssyncadd.s32 $0xFFFFFF80  }
0x10: {  	[tilespmem:s8], [sflag:$0x1] =	stream.indirect.gather [hbm4b:s3+s8], $0x80, s2, s8, $0xb8;
	[tilespmem:$0x4080] =	vst v63  }
0x11: {  	_ =	swait.ge [sflag:s9], $0x4000  }
0x12: {  	[sflag:s9] =	ssyncset.done $0x0  }
0x13: {  	[sflag:s9] =	ssyncadd.s32 $0xFFFFC000  }
0x14: {  	[hbm4b:s5+s2] =	stream.linear.scatter [tilespmem:s8], [sflag:$0x2], $0x4000, $0x38;
	[tilespmem:$0x4080] =	vst v63  }
0x15: {  	s12 =	simm.s32 $0x10;
	_ =	swait.ge [sflag:s7], $0x4000  }
0x16: {  	s13 =	simm.s32 $0x20;
	s11 =	sadd.s32 $0x800, s5;
	[sflag:s7] =	ssyncset.done $0x0  }
.LBB2_2:
0x17: {  	s14 =	sadd.s32 s12, s6  }
0x18: {  	[sflag:s7] =	ssyncadd.s32 $0xFFFFC000;
	s12 =	smov.u32 s13;
	s15 =	sadd.s32 $0x10, s13  }
0x19: {  	[tilespmem:s2], [sflag:$0x2] =	stream.linear.gather [hbm4b:s14+s2], $0x80, $0x38;
	[tilespmem:$0x4080] =	vst v63  }
0x1a: {  	p0 =	sne.s32 s13, $0x70;
	_ =	swait.ge [sflag:s7], $0x80  }
0x1b: {  	[sflag:s7] =	ssyncset.done $0x0  }
0x1c: {  	[sflag:s7] =	ssyncadd.s32 $0xFFFFFF80  }
0x1d: {  	[tilespmem:s8], [sflag:$0x1] =	stream.indirect.gather [hbm4b:s3+s8], $0x80, s2, s8, $0xb8;
	[tilespmem:$0x4080] =	vst v63  }
0x1e: {  	_ =	swait.ge [sflag:s9], $0x4000  }
.Ltmp0:
0x1f: {  	[sflag:s9] =	ssyncset.done $0x0;
	(pc) =	sbr.rel @p0 .LBB2_2-.Ltmp0, $4  }
0x20: {  	[sflag:s9] =	ssyncadd.s32 $0xFFFFC000  }
0x21: {  	[hbm4b:s11+s2] =	stream.linear.scatter [tilespmem:s8], [sflag:$0x2], $0x4000, $0x38;
	[tilespmem:$0x4080] =	vst v63  }
0x22: {  	_ =	swait.ge [sflag:s7], $0x4000  }
0x23: {  	s13 =	smov.u32 s15;
	s11 =	sadd.s32 $0x800, s11;
	[sflag:s7] =	ssyncset.done $0x0  }
0x24: {  	s12 =	sadd.s32 s12, s6;
	[sflag:s7] =	ssyncadd.s32 $0xFFFFC000  }
0x25: {  	[tilespmem:s2], [sflag:$0x2] =	stream.linear.gather [hbm4b:s12+s2], $0x80, $0x38;
	[tilespmem:$0x4080] =	vst v63  }
0x26: {  	_ =	swait.ge [sflag:s7], $0x80  }
0x27: {  	[sflag:s7] =	ssyncset.done $0x0  }
0x28: {  	[sflag:s7] =	ssyncadd.s32 $0xFFFFFF80  }
0x29: {  	[tilespmem:s8], [sflag:$0x1] =	stream.indirect.gather [hbm4b:s3+s8], $0x80, s2, s8, $0xb8;
	[tilespmem:$0x4080] =	vst v63  }
0x2a: {  	s10 =	sadd.s32 $0x1, s10;
	_ =	swait.ge [sflag:s9], $0x4000  }
0x2b: {  	p0 =	sne.s32 s10, s4;
	[sflag:s9] =	ssyncset.done $0x0  }
.Ltmp1:
0x2c: {  	[sflag:s9] =	ssyncadd.s32 $0xFFFFC000;
	(pc) =	sbr.rel @p0 .LBB2_1-.Ltmp1, $4  }
0x2d: {  	[hbm4b:s11+s2] =	stream.linear.scatter [tilespmem:s8], [sflag:$0x2], $0x4000, $0x38;
	[tilespmem:$0x4080] =	vst v63  }
0x2e: {  	_ =	swait.ge [sflag:s7], $0x4000  }
0x2f: {  	[sflag:s7] =	ssyncset.done $0x0  }
0x30: {  	[sflag:s7] =	ssyncadd.s32 $0xFFFFC000  }
0x31: {  	_ =	sfence.sel $0x180000  }
0x32: {  	[bflag:$0x0] =	sbarrier.arrive $0xFFFF  }
0x33: {  	p0 =	sne.s32 s1, $0x0;
	_ =	strace $0x9000004A  }
0x34: {  	s0 =	sadd.s32 @!p0 $0x100000, s0;
	[bflag:$0x2] =	sbarrier.arrive $0xFFFF  }
0x35: {  	[sflag:s0] =	ssyncadd.tile.s32 @!p0 $0x1;
	_ =	shalt  }
.Lfunc_end2:
_tile_overlayer_lowered:
.L_overlay_start_2:
0x36: {  	(tag) =	ssettag $0x2  }
0x37: {  	s0 =	rddreg [dreg:$0x0];
	s2 =	stileid.u32  }
0x38: {  	s1 =	rddreg [dreg:$0x1];
	p0 =	sne.s32 s2, $0x0  }
0x39: {  	s3 =	rddreg [dreg:$0x2];
	[bflag:$0x3] =	sbarrier.arrive $0xFFFF;
	s2 =	simm.s32 @!p0 $0x1C02  }
0x3a: {  	[timem:s3], [sflag:s2] =	dma.local @!p0 [hbm:s0], s1  }
0x3b: {  	s0 =	simm.s32 @!p0 $0x2  }
0x3c: {  	_ =	swait.ge @!p0 [sflag:s0], s1  }
0x3d: {  	s1 =	ssub.s32 @!p0 $0x0, s1;
	[sflag:s0] =	ssyncset.done @!p0 $0x0  }
0x3e: {  	[sflag:s0] =	ssyncadd.s32 @!p0 s1  }
0x3f: {  	[bflag:$0x3] =	sbarrier.arrive $0xFFFF  }
0x40: {  	_ =	shalt  }

// kernel: kernel.21.cloned.1.call-start
scs
__scs_entry_jumppad:
0x0: {  	(pc) =	sbr.rel $0x88, $3  }
0x1: {  	(tag) =	ssettag $0x0;
	lr =	simm.s32 $0x1  }
0x2: {  	[smem:$0x3F96] =	sst lr;
	_ =	strace $0xD0000000  }
0x3: {  	_ = 	snop  }
0x4: {  	_ = 	snop  }
0x5: {  	_ = 	snop  }
0x6: {  	_ = 	snop  }
0x7: {  	_ = 	snop  }
__scs_overlays_trampoline_lowered:
0x8: {  	[smem:$0x3FA5] =	sst s0  }
0x9: {  	[smem:$0x3FA6] =	sst s1  }
0xa: {  	[smem:$0x3FA7] =	sst s2  }
0xb: {  	[smem:$0x3FA8] =	sst s3  }
0xc: {  	[smem:$0x3FA9] =	sst s4  }
0xd: {  	[smem:$0x3FAA] =	sst s5  }
0xe: {  	[smem:$0x3FAB] =	sst s6  }
0xf: {  	[smem:$0x3FAC] =	sst s7  }
0x10: {  	[smem:$0x3FAD] =	sst s8  }
0x11: {  	[smem:$0x3FAE] =	sst s9;
	s0 =	simm.s32 @!p0 $0x0  }
0x12: {  	s1 =	sld [smem:$0x3F94];
	s0 =	simm.s32 @p0 $0x1  }
0x13: {  	[smem:$0x3FAF] =	sst s0;
	s0 =	simm.s32 @!p1 $0x0  }
0x14: {  	s2 =	sld [smem:$0x3F93];
	s0 =	simm.s32 @p1 $0x1  }
0x15: {  	[smem:$0x3FB0] =	sst s0;
	s0 =	simm.s32 @!p2 $0x0  }
0x16: {  	s3 =	sld [smem:$0x3FDB];
	s0 =	simm.s32 @p2 $0x1  }
0x17: {  	s4 =	simm.s32 $0x1BF5;
	[smem:$0x3FB2] =	sst s0  }
0x18: {  	s0 =	sld [smem:$0x3F95];
	_ =	swait.ge [sflag:s4], $0x0  }
0x19: {  	s7 =	sld [smem:$0x3F96]  }
0x1a: {  	s8 =	sadd.s32 $0xFFFFE003, lr  }
0x1b: {  	s9 =	sadd.s32 $0xFFFFFEF7, lr;
	s5 =	simm.s32 $0xFFFFFFFF;
	p2 =	slt.u32 s8, $0xFFFFF086  }
0x1c: {  	p1 =	slt.u32 s9, $0xF7A;
	s5 =	simm.s32 @!p2 $0x0  }
0x1d: {  	s5 =	simm.s32 @p1 $0x1;
	p0 =	seq.s32 s7, s2  }
0x1e: {  	s7 =	smul.u32 @!p0 $0xF7A, s2;
	p2 =	seq.s32 @!p0 s5, $0x0  }
0x1f: {  	s9 =	smul.u32 $0xF7A, s1;
	s8 =	simm.s32 @!p0 $0x1BF5;
	p2 =	por !p2, p0  }
0x20: {  	[sflag:s8] =	ssyncset.s32 @!p0 $0xFFFFF086;
	s6 =	sadd.s32 @!p0 s3, s7;
	s7 =	simm.s32 @!p0 $0x108  }
0x21: {  	s3 =	sadd.s32 s3, s9;
	s6 =	sadd.s32 @!p0 $0x88, s6;
	s7 =	simm.s32 @p2 $0x1082  }
0x22: {  	[simem:s7], [sflag:s8] =	dma.local @!p0 [hbm:s6], $0xF7A  }
0x23: {  	s9 =	sor.u32 $0xD0000000, s2;
	s6 =	simm.s32 $0x108;
	_ =	swait.ge @!p0 [sflag:s8], $0x0  }
0x24: {  	s3 =	sadd.s32 $0x88, s3;
	s6 =	simm.s32 @!p1 $0x1082;
	[sflag:s4] =	ssyncset.s32 $0xFFFFF086  }
0x25: {  	[simem:s6], [sflag:s4] =	dma.local [hbm:s3], $0xF7A  }
0x26: {  	[smem:$0x3F96] =	sst s1;
	(tag) =	ssettag s2;
	_ =	strace s9  }
0x27: {  	s1 =	sld [smem:$0x3FA6]  }
0x28: {  	s2 =	sld [smem:$0x3FA7]  }
0x29: {  	s4 =	sld [smem:$0x3FA9]  }
0x2a: {  	p0 =	seq.s32 s5, $0x0;
	s5 =	sld [smem:$0x3FAA]  }
0x2b: {  	s6 =	sld [smem:$0x3FAB]  }
0x2c: {  	s7 =	sld [smem:$0x3FAC]  }
0x2d: {  	s3 =	simm.s32 $0x108;
	s8 =	sld [smem:$0x3FAD]  }
0x2e: {  	s3 =	simm.s32 @!p0 $0x1082;
	s9 =	sld [smem:$0x3FAE]  }
0x2f: {  	lr =	sadd.s32 s0, s3;
	s0 =	sld [smem:$0x3FA5]  }
0x30: {  	s3 =	sld [smem:$0x3FA8]  }
0x31: {  	[smem:$0x3FB1] =	sst s10  }
0x32: {  	s10 =	sld [smem:$0x3FAF];
	_ =	sdelay $0x3  }
0x33: {  	p0 =	seq.s32 s10, $0x1;
	s10 =	sld [smem:$0x3FB1];
	_ =	sdelay $0x3  }
0x34: {  	[smem:$0x3FB1] =	sst s10  }
0x35: {  	s10 =	sld [smem:$0x3FB0];
	_ =	sdelay $0x3  }
0x36: {  	p1 =	seq.s32 s10, $0x1;
	s10 =	sld [smem:$0x3FB1];
	_ =	sdelay $0x3  }
0x37: {  	[smem:$0x3FB1] =	sst s10  }
0x38: {  	s10 =	sld [smem:$0x3FB2]  }
0x39: {  	_ = 	snop;
	(pc) =	sbr.ind lr, $3  }
0x3a: {  	_ = 	snop  }
0x3b: {  	_ = 	snop  }
0x3c: {  	p2 =	seq.s32 s10, $0x1;
	s10 =	sld [smem:$0x3FB1]  }
0x3d: {  	_ =	shalt  }
0x3e: {  	_ =	shalt  }
0x3f: {  	_ =	shalt  }
0x40: {  	_ =	shalt  }
0x41: {  	_ =	shalt  }
0x42: {  	_ =	shalt  }
0x43: {  	_ =	shalt  }
0x44: {  	_ =	shalt  }
0x45: {  	_ =	shalt  }
0x46: {  	_ =	shalt  }
0x47: {  	_ =	shalt  }
0x48: {  	_ =	shalt  }
0x49: {  	_ =	shalt  }
0x4a: {  	_ =	shalt  }
0x4b: {  	_ =	shalt  }
0x4c: {  	_ =	shalt  }
0x4d: {  	_ =	shalt  }
0x4e: {  	_ =	shalt  }
0x4f: {  	_ =	shalt  }
0x50: {  	_ =	shalt  }
0x51: {  	_ =	shalt  }
0x52: {  	_ =	shalt  }
0x53: {  	_ =	shalt  }
0x54: {  	_ =	shalt  }
0x55: {  	_ =	shalt  }
0x56: {  	_ =	shalt  }
0x57: {  	_ =	shalt  }
0x58: {  	_ =	shalt  }
0x59: {  	_ =	shalt  }
0x5a: {  	_ =	shalt  }
0x5b: {  	_ =	shalt  }
0x5c: {  	_ =	shalt  }
0x5d: {  	_ =	shalt  }
0x5e: {  	_ =	shalt  }
0x5f: {  	_ =	shalt  }
0x60: {  	_ =	shalt  }
0x61: {  	_ =	shalt  }
0x62: {  	_ =	shalt  }
0x63: {  	_ =	shalt  }
0x64: {  	_ =	shalt  }
0x65: {  	_ =	shalt  }
0x66: {  	_ =	shalt  }
0x67: {  	_ =	shalt  }
0x68: {  	_ =	shalt  }
0x69: {  	_ =	shalt  }
0x6a: {  	_ =	shalt  }
0x6b: {  	_ =	shalt  }
0x6c: {  	_ =	shalt  }
0x6d: {  	_ =	shalt  }
0x6e: {  	_ =	shalt  }
0x6f: {  	_ =	shalt  }
0x70: {  	_ =	shalt  }
0x71: {  	_ =	shalt  }
0x72: {  	_ =	shalt  }
0x73: {  	_ =	shalt  }
0x74: {  	_ =	shalt  }
0x75: {  	_ =	shalt  }
0x76: {  	_ =	shalt  }
0x77: {  	_ =	shalt  }
0x78: {  	_ =	shalt  }
0x79: {  	_ =	shalt  }
0x7a: {  	_ =	shalt  }
0x7b: {  	_ =	shalt  }
0x7c: {  	_ =	shalt  }
0x7d: {  	_ =	shalt  }
0x7e: {  	_ =	shalt  }
0x7f: {  	_ =	shalt  }
0x80: {  	_ =	shalt  }
0x81: {  	_ =	shalt  }
0x82: {  	_ =	shalt  }
0x83: {  	_ =	shalt  }
0x84: {  	_ =	shalt  }
0x85: {  	_ =	shalt  }
0x86: {  	_ =	shalt  }
0x87: {  	_ =	shalt  }
.Lfunc_end0:
.L_simem_size_0:
called_computation.2_lowered:
.L_overlay_start_0:
0x88: {  	s2 =	sld [smem:$0x3FD9]  }
0x89: {  	s3 =	sld [smem:$0x3FFE];
	_ =	sdelay $0x1  }
0x8a: {  	s1 =	srdreg.scid  }
0x8b: {  	s0 =	sand.u32 $0x1, s1  }
0x8c: {  	s17 =	sshll.u32 s0, $0xA;
	s2 =	sadd.s32 s3, s2  }
0x8d: {  	s2 =	sadd.s32 s2, s17  }
0x8e: {  	[smem:$0x3FBD] =	sst s2  }
0x8f: {  	_ = 	snop  }
0x90: {  	(tm) =	ssettm $0x1  }
0x91: {  	s18 =	sld [smem:$0x3FFB];
	_ =	sdelay $0x3  }
0x92: {  	_ =	strace s18  }
0x93: {  	s2 =	sld [smem:$0x3FFC];
	_ =	sdelay $0x3  }
0x94: {  	_ =	strace s2  }
0x95: {  	s2 =	sld [smem:$0x3FFD];
	_ =	sdelay $0x3  }
0x96: {  	_ =	strace s2  }
0x97: {  	_ =	strace $0x8FFFFFFF  }
0x98: {  	s19 =	sld [smem:$0x3FDB];
	_ =	sdelay $0x1  }
0x99: {  	s20 =	simm.s32 $_scs_section_size  }
0x9a: {  	s4 =	simm.s32 $_size__tile_overlayer_lowered;
	s5 =	simm.s32 $_tile_overlayer_lowered  }
0x9b: {  	s6 =	simm.s32 $0x1BFF;
	s21 =	sshll.u32 s5, $0x1;
	s3 =	sadd.s32 s20, s19  }
0x9c: {  	s22 =	simm.s32 $0x0;
	s4 =	sshll.u32 s4, $0x1;
	s5 =	sadd.s32 s21, s3  }
0x9d: {  	[timem:s22], [sflag:s6] =	dma.local [hbm:s5], s4  }
0x9e: {  	_ =	swait.ge [sflag:s6], s4  }
0x9f: {  	s4 =	ssub.s32 $0x0, s4;
	[sflag:s6] =	ssyncset.done $0x0  }
0xa0: {  	[sflag:s6] =	ssyncadd.s32 s4;
	_ =	sdelay $0x1  }
0xa1: {  	s23 =	simm.s32 $0x1B8B  }
0xa2: {  	_ =	swait.ge [sflag:s23], $0x1  }
0xa3: {  	[sflag:s23] =	ssyncset.done $0x0  }
0xa4: {  	[sflag:s23] =	ssyncadd.s32 $0xFFFFFFFF  }
0xa5: {  	s4 =	sld [smem:$0x0]  }
0xa6: {  	s5 =	sand.u32 $0xFFFFFFFE, s1  }
0xa7: {  	p0 =	sne.s32 s1, s5  }
0xa8: {  	s5 =	sshll.u32 @p0 s5, $0xE  }
0xa9: {  	s5 =	sadd.s32 @p0 $0x11B8D, s5;
	s6 =	sshll.u32 @p0 s4, $0x11  }
0xaa: {  	s5 =	sor.u32 @p0 s6, s5  }
0xab: {  	[sflag:s5] =	ssyncadd.remote.s32 @p0 $0x1;
	_ =	sdelay $0x1  }
0xac: {  	s5 =	simm.s32 @p0 $0x1B8D  }
0xad: {  	_ =	swait.eq @p0 [sflag:s5], $0x1  }
0xae: {  	[sflag:s5] =	ssyncadd.s32 @p0 $0xFFFFFFFF  }
0xaf: {  	s6 =	sshll.u32 @!p0 s1, $0xE  }
0xb0: {  	s6 =	sor.u32 @!p0 $0x4000, s6;
	s5 =	simm.s32 @!p0 $0x1B8D  }
0xb1: {  	s4 =	sshll.u32 @!p0 s4, $0x11;
	s6 =	sadd.s32 @!p0 $0x11B8D, s6;
	_ =	swait.eq @!p0 [sflag:s5], $0x1  }
0xb2: {  	s4 =	sor.u32 @!p0 s4, s6;
	[sflag:s5] =	ssyncadd.s32 @!p0 $0xFFFFFFFF  }
0xb3: {  	s25 =	simm.s32 $0x1B8E;
	s24 =	sld [smem:$0x3FFE];
	[sflag:s4] =	ssyncadd.remote.s32 @!p0 $0x1  }
0xb4: {  	s26 =	simm.s32 $execute0_lowered;
	[smem:$0x3FD2] =	sst s25  }
0xb5: {  	s5 =	sshll.u32 s26, $0x1;
	_ =	strace $0x8000004C;
	[dreg:$0x1] =	wrdreg $0xFFFFFFFF  }
0xb6: {  	s28 =	simm.s32 $_size_execute0_lowered;
	s3 =	sadd.s32 s3, s5;
	[dreg:$0x0] =	wrdreg $0x0  }
0xb7: {  	s5 =	sshll.u32 s28, $0x1;
	[dreg:$0x2] =	wrdreg s3  }
0xb8: {  	[dreg:$0x3] =	wrdreg s5  }
0xb9: {  	[dreg:$0x4] =	wrdreg $0xC0  }
0xba: {  	_ =	task [dreg:s22], $0x5FFFF  }
0xbb: {  	[dreg:$0x1] =	wrdreg $0xFFFFFFFF  }
0xbc: {  	[dreg:$0x0] =	wrdreg $0x60  }
0xbd: {  	[dreg:$0x2] =	wrdreg s24  }
0xbe: {  	[dreg:$0x3] =	wrdreg $0xB  }
0xbf: {  	_ =	task.clear_ibuf [dreg:s22], $0x4FFFF;
	_ =	strace $0x9000004C  }
0xc0: {  	s29 =	simm.s32 $0xB;
	_ =	strace $0x8000004E  }
0xc1: {  	_ =	swait.ge [sflag:s29], $0x1  }
0xc2: {  	[sflag:s29] =	ssyncadd.s32 $0xFFFFFFFF  }
0xc3: {  	_ =	strace $0x9000004E  }
0xc4: {  	_ =	sfence  }
0xc5: {  	s30 =	sld [smem:$0x0];
	_ =	sdelay $0x2  }
0xc6: {  	s31 =	sshll.u32 s1, $0xD;
	s1 =	sshrl.u32 s1, $0x2  }
0xc7: {  	s4 =	sand.u32 $0x4000, s31;
	s1 =	sadd.s32 s1, s30  }
0xc8: {  	s0 =	sor.u32 s4, s0;
	s1 =	sshll.u32 s1, $0x11  }
0xc9: {  	s0 =	sor.u32 s1, s0  }
0xca: {  	s0 =	sadd.s32 $0x8F2B, s0  }
0xcb: {  	[sflag:s0] =	ssyncadd.remote.s32 $0x1  }
0xcc: {  	_ =	sfence.sel $0xFFFF  }
0xcd: {  	[dreg:$0x0] =	wrdreg $0xFFFFFFFF;
	(pc) =	sbr.abs _section_cstart, $3  }
0xce: {  	[dreg:$0x1] =	wrdreg $0xFFFFFFFF  }
0xcf: {  	_ =	task.clear_ibuf [dreg:s22], $0x2FFFF;
	_ =	strace $0x9FFFFFFF  }
0xd0: {  	(tm) =	ssettm $0x7FFFFFFF  }
0xd1: {  	_ =	shalt  }
tec
execute0_lowered:
.L_overlay_start_1:
0x0: {  	(tag) =	ssettag $0x1  }
0x1: {  	s4 =	rddreg [dreg:$0x0]  }
0x2: {  	s0 =	rddreg [dreg:$0x1];
	s2 =	simm.s32 $0x0;
	s3 =	srdreg.scid  }
0x3: {  	s1 =	stileid.u32;
	s10 =	simm.s32 $0x0;
	[smem:$0x7FF] =	sst s2  }
0x4: {  	s5 =	sand.u32 $0x1, s3;
	s6 =	sshll.u32 s1, $0xB;
	s3 =	sadd.s32 $0x3800, s4  }
0x5: {  	s8 =	sshll.u32 s1, $0xF;
	_ =	strace $0x8000004D;
	s7 =	sshll.u32 s5, $0xA  }
0x6: {  	s31 =	ssub.s32 $0x2, s5;
	s8 =	sadd.s32 s8, s4;
	s5 =	sshll.u32 s5, $0xE  }
0x7: {  	s6 =	sor.u32 s7, s6;
	s9 =	sshrl.u32 s31, $0x1;
	s5 =	sadd.s32 s5, s8  }
0x8: {  	s8 =	simm.s32 $0x80;
	s6 =	sshrl.u32 s6, $0x3;
	s7 =	ssub.s32 s31, s9  }
0x9: {  	s5 =	sadd.s32 $0x145800, s5;
	s9 =	simm.s32 $0x1;
	s6 =	sadd.s32 s6, s4  }
0xa: {  	s4 =	smax.u32 s7, $0x1;
	s7 =	simm.s32 $0x2;
	s6 =	sadd.s32 $0x144800, s6  }
.LBB2_1:
0xb: {  	s11 =	sadd.s32 $0x0, s6  }
0xc: {  	[tilespmem:s2], [sflag:$0x2] =	stream.linear.gather [hbm4b:s11+s2], $0x80, $0x38;
	[tilespmem:$0x4080] =	vst v63  }
0xd: {  	_ =	swait.ge [sflag:s7], $0x80  }
0xe: {  	[sflag:s7] =	ssyncset.done $0x0  }
0xf: {  	[sflag:s7] =	ssyncadd.s32 $0xFFFFFF80  }
0x10: {  	[tilespmem:s8], [sflag:$0x1] =	stream.indirect.gather [hbm4b:s3+s8], $0x80, s2, s8, $0xb8;
	[tilespmem:$0x4080] =	vst v63  }
0x11: {  	_ =	swait.ge [sflag:s9], $0x4000  }
0x12: {  	[sflag:s9] =	ssyncset.done $0x0  }
0x13: {  	[sflag:s9] =	ssyncadd.s32 $0xFFFFC000  }
0x14: {  	[hbm4b:s5+s2] =	stream.linear.scatter [tilespmem:s8], [sflag:$0x2], $0x4000, $0x38;
	[tilespmem:$0x4080] =	vst v63  }
0x15: {  	s12 =	simm.s32 $0x10;
	_ =	swait.ge [sflag:s7], $0x4000  }
0x16: {  	s13 =	simm.s32 $0x20;
	s11 =	sadd.s32 $0x800, s5;
	[sflag:s7] =	ssyncset.done $0x0  }
.LBB2_2:
0x17: {  	s14 =	sadd.s32 s12, s6  }
0x18: {  	[sflag:s7] =	ssyncadd.s32 $0xFFFFC000;
	s12 =	smov.u32 s13;
	s15 =	sadd.s32 $0x10, s13  }
0x19: {  	[tilespmem:s2], [sflag:$0x2] =	stream.linear.gather [hbm4b:s14+s2], $0x80, $0x38;
	[tilespmem:$0x4080] =	vst v63  }
0x1a: {  	p0 =	sne.s32 s13, $0x70;
	_ =	swait.ge [sflag:s7], $0x80  }
0x1b: {  	[sflag:s7] =	ssyncset.done $0x0  }
0x1c: {  	[sflag:s7] =	ssyncadd.s32 $0xFFFFFF80  }
0x1d: {  	[tilespmem:s8], [sflag:$0x1] =	stream.indirect.gather [hbm4b:s3+s8], $0x80, s2, s8, $0xb8;
	[tilespmem:$0x4080] =	vst v63  }
0x1e: {  	_ =	swait.ge [sflag:s9], $0x4000  }
.Ltmp0:
0x1f: {  	[sflag:s9] =	ssyncset.done $0x0;
	(pc) =	sbr.rel @p0 .LBB2_2-.Ltmp0, $4  }
0x20: {  	[sflag:s9] =	ssyncadd.s32 $0xFFFFC000  }
0x21: {  	[hbm4b:s11+s2] =	stream.linear.scatter [tilespmem:s8], [sflag:$0x2], $0x4000, $0x38;
	[tilespmem:$0x4080] =	vst v63  }
0x22: {  	_ =	swait.ge [sflag:s7], $0x4000  }
0x23: {  	s13 =	smov.u32 s15;
	s11 =	sadd.s32 $0x800, s11;
	[sflag:s7] =	ssyncset.done $0x0  }
0x24: {  	s12 =	sadd.s32 s12, s6;
	[sflag:s7] =	ssyncadd.s32 $0xFFFFC000  }
0x25: {  	[tilespmem:s2], [sflag:$0x2] =	stream.linear.gather [hbm4b:s12+s2], $0x80, $0x38;
	[tilespmem:$0x4080] =	vst v63  }
0x26: {  	_ =	swait.ge [sflag:s7], $0x80  }
0x27: {  	[sflag:s7] =	ssyncset.done $0x0  }
0x28: {  	[sflag:s7] =	ssyncadd.s32 $0xFFFFFF80  }
0x29: {  	[tilespmem:s8], [sflag:$0x1] =	stream.indirect.gather [hbm4b:s3+s8], $0x80, s2, s8, $0xb8;
	[tilespmem:$0x4080] =	vst v63  }
0x2a: {  	s10 =	sadd.s32 $0x1, s10;
	_ =	swait.ge [sflag:s9], $0x4000  }
0x2b: {  	p0 =	sne.s32 s10, s4;
	[sflag:s9] =	ssyncset.done $0x0  }
.Ltmp1:
0x2c: {  	[sflag:s9] =	ssyncadd.s32 $0xFFFFC000;
	(pc) =	sbr.rel @p0 .LBB2_1-.Ltmp1, $4  }
0x2d: {  	[hbm4b:s11+s2] =	stream.linear.scatter [tilespmem:s8], [sflag:$0x2], $0x4000, $0x38;
	[tilespmem:$0x4080] =	vst v63  }
0x2e: {  	_ =	swait.ge [sflag:s7], $0x4000  }
0x2f: {  	[sflag:s7] =	ssyncset.done $0x0  }
0x30: {  	[sflag:s7] =	ssyncadd.s32 $0xFFFFC000  }
0x31: {  	_ =	sfence.sel $0x180000  }
0x32: {  	[bflag:$0x0] =	sbarrier.arrive $0xFFFF  }
0x33: {  	p0 =	sne.s32 s1, $0x0;
	_ =	strace $0x9000004D  }
0x34: {  	s0 =	sadd.s32 @!p0 $0x100000, s0;
	[bflag:$0x2] =	sbarrier.arrive $0xFFFF  }
0x35: {  	[sflag:s0] =	ssyncadd.tile.s32 @!p0 $0x1;
	_ =	shalt  }
.Lfunc_end2:
_tile_overlayer_lowered:
.L_overlay_start_2:
0x36: {  	(tag) =	ssettag $0x2  }
0x37: {  	s0 =	rddreg [dreg:$0x0];
	s2 =	stileid.u32  }
0x38: {  	s1 =	rddreg [dreg:$0x1];
	p0 =	sne.s32 s2, $0x0  }
0x39: {  	s3 =	rddreg [dreg:$0x2];
	[bflag:$0x3] =	sbarrier.arrive $0xFFFF;
	s2 =	simm.s32 @!p0 $0x1C02  }
0x3a: {  	[timem:s3], [sflag:s2] =	dma.local @!p0 [hbm:s0], s1  }
0x3b: {  	s0 =	simm.s32 @!p0 $0x2  }
0x3c: {  	_ =	swait.ge @!p0 [sflag:s0], s1  }
0x3d: {  	s1 =	ssub.s32 @!p0 $0x0, s1;
	[sflag:s0] =	ssyncset.done @!p0 $0x0  }
0x3e: {  	[sflag:s0] =	ssyncadd.s32 @!p0 s1  }
0x3f: {  	[bflag:$0x3] =	sbarrier.arrive $0xFFFF  }
0x40: {  	_ =	shalt  }

// kernel: kernel.24.cloned.1.call-start
scs
__scs_entry_jumppad:
0x0: {  	(pc) =	sbr.rel $0x88, $3  }
0x1: {  	(tag) =	ssettag $0x0;
	lr =	simm.s32 $0x1  }
0x2: {  	[smem:$0x3F96] =	sst lr;
	_ =	strace $0xD0000000  }
0x3: {  	_ = 	snop  }
0x4: {  	_ = 	snop  }
0x5: {  	_ = 	snop  }
0x6: {  	_ = 	snop  }
0x7: {  	_ = 	snop  }
__scs_overlays_trampoline_lowered:
0x8: {  	[smem:$0x3FA5] =	sst s0  }
0x9: {  	[smem:$0x3FA6] =	sst s1  }
0xa: {  	[smem:$0x3FA7] =	sst s2  }
0xb: {  	[smem:$0x3FA8] =	sst s3  }
0xc: {  	[smem:$0x3FA9] =	sst s4  }
0xd: {  	[smem:$0x3FAA] =	sst s5  }
0xe: {  	[smem:$0x3FAB] =	sst s6  }
0xf: {  	[smem:$0x3FAC] =	sst s7  }
0x10: {  	[smem:$0x3FAD] =	sst s8  }
0x11: {  	[smem:$0x3FAE] =	sst s9;
	s0 =	simm.s32 @!p0 $0x0  }
0x12: {  	s1 =	sld [smem:$0x3F94];
	s0 =	simm.s32 @p0 $0x1  }
0x13: {  	[smem:$0x3FAF] =	sst s0;
	s0 =	simm.s32 @!p1 $0x0  }
0x14: {  	s2 =	sld [smem:$0x3F93];
	s0 =	simm.s32 @p1 $0x1  }
0x15: {  	[smem:$0x3FB0] =	sst s0;
	s0 =	simm.s32 @!p2 $0x0  }
0x16: {  	s3 =	sld [smem:$0x3FDB];
	s0 =	simm.s32 @p2 $0x1  }
0x17: {  	s4 =	simm.s32 $0x1BF5;
	[smem:$0x3FB2] =	sst s0  }
0x18: {  	s0 =	sld [smem:$0x3F95];
	_ =	swait.ge [sflag:s4], $0x0  }
0x19: {  	s7 =	sld [smem:$0x3F96]  }
0x1a: {  	s8 =	sadd.s32 $0xFFFFE003, lr  }
0x1b: {  	s9 =	sadd.s32 $0xFFFFFEF7, lr;
	s5 =	simm.s32 $0xFFFFFFFF;
	p2 =	slt.u32 s8, $0xFFFFF086  }
0x1c: {  	p1 =	slt.u32 s9, $0xF7A;
	s5 =	simm.s32 @!p2 $0x0  }
0x1d: {  	s5 =	simm.s32 @p1 $0x1;
	p0 =	seq.s32 s7, s2  }
0x1e: {  	s7 =	smul.u32 @!p0 $0xF7A, s2;
	p2 =	seq.s32 @!p0 s5, $0x0  }
0x1f: {  	s9 =	smul.u32 $0xF7A, s1;
	s8 =	simm.s32 @!p0 $0x1BF5;
	p2 =	por !p2, p0  }
0x20: {  	[sflag:s8] =	ssyncset.s32 @!p0 $0xFFFFF086;
	s6 =	sadd.s32 @!p0 s3, s7;
	s7 =	simm.s32 @!p0 $0x108  }
0x21: {  	s3 =	sadd.s32 s3, s9;
	s6 =	sadd.s32 @!p0 $0x88, s6;
	s7 =	simm.s32 @p2 $0x1082  }
0x22: {  	[simem:s7], [sflag:s8] =	dma.local @!p0 [hbm:s6], $0xF7A  }
0x23: {  	s9 =	sor.u32 $0xD0000000, s2;
	s6 =	simm.s32 $0x108;
	_ =	swait.ge @!p0 [sflag:s8], $0x0  }
0x24: {  	s3 =	sadd.s32 $0x88, s3;
	s6 =	simm.s32 @!p1 $0x1082;
	[sflag:s4] =	ssyncset.s32 $0xFFFFF086  }
0x25: {  	[simem:s6], [sflag:s4] =	dma.local [hbm:s3], $0xF7A  }
0x26: {  	[smem:$0x3F96] =	sst s1;
	(tag) =	ssettag s2;
	_ =	strace s9  }
0x27: {  	s1 =	sld [smem:$0x3FA6]  }
0x28: {  	s2 =	sld [smem:$0x3FA7]  }
0x29: {  	s4 =	sld [smem:$0x3FA9]  }
0x2a: {  	p0 =	seq.s32 s5, $0x0;
	s5 =	sld [smem:$0x3FAA]  }
0x2b: {  	s6 =	sld [smem:$0x3FAB]  }
0x2c: {  	s7 =	sld [smem:$0x3FAC]  }
0x2d: {  	s3 =	simm.s32 $0x108;
	s8 =	sld [smem:$0x3FAD]  }
0x2e: {  	s3 =	simm.s32 @!p0 $0x1082;
	s9 =	sld [smem:$0x3FAE]  }
0x2f: {  	lr =	sadd.s32 s0, s3;
	s0 =	sld [smem:$0x3FA5]  }
0x30: {  	s3 =	sld [smem:$0x3FA8]  }
0x31: {  	[smem:$0x3FB1] =	sst s10  }
0x32: {  	s10 =	sld [smem:$0x3FAF];
	_ =	sdelay $0x3  }
0x33: {  	p0 =	seq.s32 s10, $0x1;
	s10 =	sld [smem:$0x3FB1];
	_ =	sdelay $0x3  }
0x34: {  	[smem:$0x3FB1] =	sst s10  }
0x35: {  	s10 =	sld [smem:$0x3FB0];
	_ =	sdelay $0x3  }
0x36: {  	p1 =	seq.s32 s10, $0x1;
	s10 =	sld [smem:$0x3FB1];
	_ =	sdelay $0x3  }
0x37: {  	[smem:$0x3FB1] =	sst s10  }
0x38: {  	s10 =	sld [smem:$0x3FB2]  }
0x39: {  	_ = 	snop;
	(pc) =	sbr.ind lr, $3  }
0x3a: {  	_ = 	snop  }
0x3b: {  	_ = 	snop  }
0x3c: {  	p2 =	seq.s32 s10, $0x1;
	s10 =	sld [smem:$0x3FB1]  }
0x3d: {  	_ =	shalt  }
0x3e: {  	_ =	shalt  }
0x3f: {  	_ =	shalt  }
0x40: {  	_ =	shalt  }
0x41: {  	_ =	shalt  }
0x42: {  	_ =	shalt  }
0x43: {  	_ =	shalt  }
0x44: {  	_ =	shalt  }
0x45: {  	_ =	shalt  }
0x46: {  	_ =	shalt  }
0x47: {  	_ =	shalt  }
0x48: {  	_ =	shalt  }
0x49: {  	_ =	shalt  }
0x4a: {  	_ =	shalt  }
0x4b: {  	_ =	shalt  }
0x4c: {  	_ =	shalt  }
0x4d: {  	_ =	shalt  }
0x4e: {  	_ =	shalt  }
0x4f: {  	_ =	shalt  }
0x50: {  	_ =	shalt  }
0x51: {  	_ =	shalt  }
0x52: {  	_ =	shalt  }
0x53: {  	_ =	shalt  }
0x54: {  	_ =	shalt  }
0x55: {  	_ =	shalt  }
0x56: {  	_ =	shalt  }
0x57: {  	_ =	shalt  }
0x58: {  	_ =	shalt  }
0x59: {  	_ =	shalt  }
0x5a: {  	_ =	shalt  }
0x5b: {  	_ =	shalt  }
0x5c: {  	_ =	shalt  }
0x5d: {  	_ =	shalt  }
0x5e: {  	_ =	shalt  }
0x5f: {  	_ =	shalt  }
0x60: {  	_ =	shalt  }
0x61: {  	_ =	shalt  }
0x62: {  	_ =	shalt  }
0x63: {  	_ =	shalt  }
0x64: {  	_ =	shalt  }
0x65: {  	_ =	shalt  }
0x66: {  	_ =	shalt  }
0x67: {  	_ =	shalt  }
0x68: {  	_ =	shalt  }
0x69: {  	_ =	shalt  }
0x6a: {  	_ =	shalt  }
0x6b: {  	_ =	shalt  }
0x6c: {  	_ =	shalt  }
0x6d: {  	_ =	shalt  }
0x6e: {  	_ =	shalt  }
0x6f: {  	_ =	shalt  }
0x70: {  	_ =	shalt  }
0x71: {  	_ =	shalt  }
0x72: {  	_ =	shalt  }
0x73: {  	_ =	shalt  }
0x74: {  	_ =	shalt  }
0x75: {  	_ =	shalt  }
0x76: {  	_ =	shalt  }
0x77: {  	_ =	shalt  }
0x78: {  	_ =	shalt  }
0x79: {  	_ =	shalt  }
0x7a: {  	_ =	shalt  }
0x7b: {  	_ =	shalt  }
0x7c: {  	_ =	shalt  }
0x7d: {  	_ =	shalt  }
0x7e: {  	_ =	shalt  }
0x7f: {  	_ =	shalt  }
0x80: {  	_ =	shalt  }
0x81: {  	_ =	shalt  }
0x82: {  	_ =	shalt  }
0x83: {  	_ =	shalt  }
0x84: {  	_ =	shalt  }
0x85: {  	_ =	shalt  }
0x86: {  	_ =	shalt  }
0x87: {  	_ =	shalt  }
.Lfunc_end0:
.L_simem_size_0:
called_computation.3_lowered:
.L_overlay_start_0:
0x88: {  	s2 =	sld [smem:$0x3FD9]  }
0x89: {  	s3 =	sld [smem:$0x3FFE];
	_ =	sdelay $0x1  }
0x8a: {  	s1 =	srdreg.scid  }
0x8b: {  	s0 =	sand.u32 $0x1, s1  }
0x8c: {  	s17 =	sshll.u32 s0, $0xA;
	s2 =	sadd.s32 s3, s2  }
0x8d: {  	s2 =	sadd.s32 s2, s17  }
0x8e: {  	[smem:$0x3FBD] =	sst s2  }
0x8f: {  	_ = 	snop  }
0x90: {  	(tm) =	ssettm $0x1  }
0x91: {  	s18 =	sld [smem:$0x3FFB];
	_ =	sdelay $0x3  }
0x92: {  	_ =	strace s18  }
0x93: {  	s2 =	sld [smem:$0x3FFC];
	_ =	sdelay $0x3  }
0x94: {  	_ =	strace s2  }
0x95: {  	s2 =	sld [smem:$0x3FFD];
	_ =	sdelay $0x3  }
0x96: {  	_ =	strace s2  }
0x97: {  	_ =	strace $0x8FFFFFFF  }
0x98: {  	s19 =	sld [smem:$0x3FDB];
	_ =	sdelay $0x1  }
0x99: {  	s20 =	simm.s32 $_scs_section_size  }
0x9a: {  	s4 =	simm.s32 $_size__tile_overlayer_lowered;
	s5 =	simm.s32 $_tile_overlayer_lowered  }
0x9b: {  	s6 =	simm.s32 $0x1BFF;
	s21 =	sshll.u32 s5, $0x1;
	s3 =	sadd.s32 s20, s19  }
0x9c: {  	s22 =	simm.s32 $0x0;
	s4 =	sshll.u32 s4, $0x1;
	s5 =	sadd.s32 s21, s3  }
0x9d: {  	[timem:s22], [sflag:s6] =	dma.local [hbm:s5], s4  }
0x9e: {  	_ =	swait.ge [sflag:s6], s4  }
0x9f: {  	s4 =	ssub.s32 $0x0, s4;
	[sflag:s6] =	ssyncset.done $0x0  }
0xa0: {  	[sflag:s6] =	ssyncadd.s32 s4;
	_ =	sdelay $0x1  }
0xa1: {  	s23 =	simm.s32 $0x1B8B  }
0xa2: {  	_ =	swait.ge [sflag:s23], $0x1  }
0xa3: {  	[sflag:s23] =	ssyncset.done $0x0  }
0xa4: {  	[sflag:s23] =	ssyncadd.s32 $0xFFFFFFFF  }
0xa5: {  	s4 =	sld [smem:$0x0]  }
0xa6: {  	s5 =	sand.u32 $0xFFFFFFFE, s1  }
0xa7: {  	p0 =	sne.s32 s1, s5  }
0xa8: {  	s5 =	sshll.u32 @p0 s5, $0xE  }
0xa9: {  	s5 =	sadd.s32 @p0 $0x11B8D, s5;
	s6 =	sshll.u32 @p0 s4, $0x11  }
0xaa: {  	s5 =	sor.u32 @p0 s6, s5  }
0xab: {  	[sflag:s5] =	ssyncadd.remote.s32 @p0 $0x1;
	_ =	sdelay $0x1  }
0xac: {  	s5 =	simm.s32 @p0 $0x1B8D  }
0xad: {  	_ =	swait.eq @p0 [sflag:s5], $0x1  }
0xae: {  	[sflag:s5] =	ssyncadd.s32 @p0 $0xFFFFFFFF  }
0xaf: {  	s6 =	sshll.u32 @!p0 s1, $0xE  }
0xb0: {  	s6 =	sor.u32 @!p0 $0x4000, s6;
	s5 =	simm.s32 @!p0 $0x1B8D  }
0xb1: {  	s4 =	sshll.u32 @!p0 s4, $0x11;
	s6 =	sadd.s32 @!p0 $0x11B8D, s6;
	_ =	swait.eq @!p0 [sflag:s5], $0x1  }
0xb2: {  	s4 =	sor.u32 @!p0 s4, s6;
	[sflag:s5] =	ssyncadd.s32 @!p0 $0xFFFFFFFF  }
0xb3: {  	s25 =	simm.s32 $0x1B8E;
	s24 =	sld [smem:$0x3FFE];
	[sflag:s4] =	ssyncadd.remote.s32 @!p0 $0x1  }
0xb4: {  	s26 =	simm.s32 $execute0_lowered;
	[smem:$0x3FD2] =	sst s25  }
0xb5: {  	s5 =	sshll.u32 s26, $0x1;
	_ =	strace $0x8000004F;
	[dreg:$0x1] =	wrdreg $0xFFFFFFFF  }
0xb6: {  	s28 =	simm.s32 $_size_execute0_lowered;
	s3 =	sadd.s32 s3, s5;
	[dreg:$0x0] =	wrdreg $0x0  }
0xb7: {  	s5 =	sshll.u32 s28, $0x1;
	[dreg:$0x2] =	wrdreg s3  }
0xb8: {  	[dreg:$0x3] =	wrdreg s5  }
0xb9: {  	[dreg:$0x4] =	wrdreg $0xC0  }
0xba: {  	_ =	task [dreg:s22], $0x5FFFF  }
0xbb: {  	[dreg:$0x1] =	wrdreg $0xFFFFFFFF  }
0xbc: {  	[dreg:$0x0] =	wrdreg $0x60  }
0xbd: {  	[dreg:$0x2] =	wrdreg s24  }
0xbe: {  	[dreg:$0x3] =	wrdreg $0xC  }
0xbf: {  	_ =	task.clear_ibuf [dreg:s22], $0x4FFFF;
	_ =	strace $0x9000004F  }
0xc0: {  	s29 =	simm.s32 $0xC;
	_ =	strace $0x80000051  }
0xc1: {  	_ =	swait.ge [sflag:s29], $0x1  }
0xc2: {  	[sflag:s29] =	ssyncadd.s32 $0xFFFFFFFF  }
0xc3: {  	_ =	strace $0x90000051  }
0xc4: {  	_ =	sfence  }
0xc5: {  	s30 =	sld [smem:$0x0];
	_ =	sdelay $0x2  }
0xc6: {  	s31 =	sshll.u32 s1, $0xD;
	s1 =	sshrl.u32 s1, $0x2  }
0xc7: {  	s4 =	sand.u32 $0x4000, s31;
	s1 =	sadd.s32 s1, s30  }
0xc8: {  	s0 =	sor.u32 s4, s0;
	s1 =	sshll.u32 s1, $0x11  }
0xc9: {  	s0 =	sor.u32 s1, s0  }
0xca: {  	s0 =	sadd.s32 $0x8F2B, s0  }
0xcb: {  	[sflag:s0] =	ssyncadd.remote.s32 $0x1  }
0xcc: {  	_ =	sfence.sel $0xFFFF  }
0xcd: {  	[dreg:$0x0] =	wrdreg $0xFFFFFFFF;
	(pc) =	sbr.abs _section_cstart, $3  }
0xce: {  	[dreg:$0x1] =	wrdreg $0xFFFFFFFF  }
0xcf: {  	_ =	task.clear_ibuf [dreg:s22], $0x2FFFF;
	_ =	strace $0x9FFFFFFF  }
0xd0: {  	(tm) =	ssettm $0x7FFFFFFF  }
0xd1: {  	_ =	shalt  }
tec
execute0_lowered:
.L_overlay_start_1:
0x0: {  	(tag) =	ssettag $0x1  }
0x1: {  	s4 =	rddreg [dreg:$0x0]  }
0x2: {  	s0 =	rddreg [dreg:$0x1];
	s2 =	simm.s32 $0x0;
	s3 =	srdreg.scid  }
0x3: {  	s1 =	stileid.u32;
	s10 =	simm.s32 $0x0;
	[smem:$0x7FF] =	sst s2  }
0x4: {  	s5 =	sand.u32 $0x1, s3;
	s6 =	sshll.u32 s1, $0xB;
	s3 =	sadd.s32 $0x3800, s4  }
0x5: {  	s8 =	sshll.u32 s1, $0xF;
	_ =	strace $0x80000050;
	s7 =	sshll.u32 s5, $0xA  }
0x6: {  	s31 =	ssub.s32 $0x2, s5;
	s8 =	sadd.s32 s8, s4;
	s5 =	sshll.u32 s5, $0xE  }
0x7: {  	s6 =	sor.u32 s7, s6;
	s9 =	sshrl.u32 s31, $0x1;
	s5 =	sadd.s32 s5, s8  }
0x8: {  	s8 =	simm.s32 $0x80;
	s6 =	sshrl.u32 s6, $0x3;
	s7 =	ssub.s32 s31, s9  }
0x9: {  	s5 =	sadd.s32 $0x1C6800, s5;
	s9 =	simm.s32 $0x1;
	s6 =	sadd.s32 s6, s4  }
0xa: {  	s4 =	smax.u32 s7, $0x1;
	s7 =	simm.s32 $0x2;
	s6 =	sadd.s32 $0x1C5800, s6  }
.LBB2_1:
0xb: {  	s11 =	sadd.s32 $0x0, s6  }
0xc: {  	[tilespmem:s2], [sflag:$0x2] =	stream.linear.gather [hbm4b:s11+s2], $0x80, $0x38;
	[tilespmem:$0x4080] =	vst v63  }
0xd: {  	_ =	swait.ge [sflag:s7], $0x80  }
0xe: {  	[sflag:s7] =	ssyncset.done $0x0  }
0xf: {  	[sflag:s7] =	ssyncadd.s32 $0xFFFFFF80  }
0x10: {  	[tilespmem:s8], [sflag:$0x1] =	stream.indirect.gather [hbm4b:s3+s8], $0x80, s2, s8, $0xb8;
	[tilespmem:$0x4080] =	vst v63  }
0x11: {  	_ =	swait.ge [sflag:s9], $0x4000  }
0x12: {  	[sflag:s9] =	ssyncset.done $0x0  }
0x13: {  	[sflag:s9] =	ssyncadd.s32 $0xFFFFC000  }
0x14: {  	[hbm4b:s5+s2] =	stream.linear.scatter [tilespmem:s8], [sflag:$0x2], $0x4000, $0x38;
	[tilespmem:$0x4080] =	vst v63  }
0x15: {  	s12 =	simm.s32 $0x10;
	_ =	swait.ge [sflag:s7], $0x4000  }
0x16: {  	s13 =	simm.s32 $0x20;
	s11 =	sadd.s32 $0x800, s5;
	[sflag:s7] =	ssyncset.done $0x0  }
.LBB2_2:
0x17: {  	s14 =	sadd.s32 s12, s6  }
0x18: {  	[sflag:s7] =	ssyncadd.s32 $0xFFFFC000;
	s12 =	smov.u32 s13;
	s15 =	sadd.s32 $0x10, s13  }
0x19: {  	[tilespmem:s2], [sflag:$0x2] =	stream.linear.gather [hbm4b:s14+s2], $0x80, $0x38;
	[tilespmem:$0x4080] =	vst v63  }
0x1a: {  	p0 =	sne.s32 s13, $0x70;
	_ =	swait.ge [sflag:s7], $0x80  }
0x1b: {  	[sflag:s7] =	ssyncset.done $0x0  }
0x1c: {  	[sflag:s7] =	ssyncadd.s32 $0xFFFFFF80  }
0x1d: {  	[tilespmem:s8], [sflag:$0x1] =	stream.indirect.gather [hbm4b:s3+s8], $0x80, s2, s8, $0xb8;
	[tilespmem:$0x4080] =	vst v63  }
0x1e: {  	_ =	swait.ge [sflag:s9], $0x4000  }
.Ltmp0:
0x1f: {  	[sflag:s9] =	ssyncset.done $0x0;
	(pc) =	sbr.rel @p0 .LBB2_2-.Ltmp0, $4  }
0x20: {  	[sflag:s9] =	ssyncadd.s32 $0xFFFFC000  }
0x21: {  	[hbm4b:s11+s2] =	stream.linear.scatter [tilespmem:s8], [sflag:$0x2], $0x4000, $0x38;
	[tilespmem:$0x4080] =	vst v63  }
0x22: {  	_ =	swait.ge [sflag:s7], $0x4000  }
0x23: {  	s13 =	smov.u32 s15;
	s11 =	sadd.s32 $0x800, s11;
	[sflag:s7] =	ssyncset.done $0x0  }
0x24: {  	s12 =	sadd.s32 s12, s6;
	[sflag:s7] =	ssyncadd.s32 $0xFFFFC000  }
0x25: {  	[tilespmem:s2], [sflag:$0x2] =	stream.linear.gather [hbm4b:s12+s2], $0x80, $0x38;
	[tilespmem:$0x4080] =	vst v63  }
0x26: {  	_ =	swait.ge [sflag:s7], $0x80  }
0x27: {  	[sflag:s7] =	ssyncset.done $0x0  }
0x28: {  	[sflag:s7] =	ssyncadd.s32 $0xFFFFFF80  }
0x29: {  	[tilespmem:s8], [sflag:$0x1] =	stream.indirect.gather [hbm4b:s3+s8], $0x80, s2, s8, $0xb8;
	[tilespmem:$0x4080] =	vst v63  }
0x2a: {  	s10 =	sadd.s32 $0x1, s10;
	_ =	swait.ge [sflag:s9], $0x4000  }
0x2b: {  	p0 =	sne.s32 s10, s4;
	[sflag:s9] =	ssyncset.done $0x0  }
.Ltmp1:
0x2c: {  	[sflag:s9] =	ssyncadd.s32 $0xFFFFC000;
	(pc) =	sbr.rel @p0 .LBB2_1-.Ltmp1, $4  }
0x2d: {  	[hbm4b:s11+s2] =	stream.linear.scatter [tilespmem:s8], [sflag:$0x2], $0x4000, $0x38;
	[tilespmem:$0x4080] =	vst v63  }
0x2e: {  	_ =	swait.ge [sflag:s7], $0x4000  }
0x2f: {  	[sflag:s7] =	ssyncset.done $0x0  }
0x30: {  	[sflag:s7] =	ssyncadd.s32 $0xFFFFC000  }
0x31: {  	_ =	sfence.sel $0x180000  }
0x32: {  	[bflag:$0x0] =	sbarrier.arrive $0xFFFF  }
0x33: {  	p0 =	sne.s32 s1, $0x0;
	_ =	strace $0x90000050  }
0x34: {  	s0 =	sadd.s32 @!p0 $0x100000, s0;
	[bflag:$0x2] =	sbarrier.arrive $0xFFFF  }
0x35: {  	[sflag:s0] =	ssyncadd.tile.s32 @!p0 $0x1;
	_ =	shalt  }
.Lfunc_end2:
_tile_overlayer_lowered:
.L_overlay_start_2:
0x36: {  	(tag) =	ssettag $0x2  }
0x37: {  	s0 =	rddreg [dreg:$0x0];
	s2 =	stileid.u32  }
0x38: {  	s1 =	rddreg [dreg:$0x1];
	p0 =	sne.s32 s2, $0x0  }
0x39: {  	s3 =	rddreg [dreg:$0x2];
	[bflag:$0x3] =	sbarrier.arrive $0xFFFF;
	s2 =	simm.s32 @!p0 $0x1C02  }
0x3a: {  	[timem:s3], [sflag:s2] =	dma.local @!p0 [hbm:s0], s1  }
0x3b: {  	s0 =	simm.s32 @!p0 $0x2  }
0x3c: {  	_ =	swait.ge @!p0 [sflag:s0], s1  }
0x3d: {  	s1 =	ssub.s32 @!p0 $0x0, s1;
	[sflag:s0] =	ssyncset.done @!p0 $0x0  }
0x3e: {  	[sflag:s0] =	ssyncadd.s32 @!p0 s1  }
0x3f: {  	[bflag:$0x3] =	sbarrier.arrive $0xFFFF  }
0x40: {  	_ =	shalt  }

</sc_bundles>
